<compile_context>
chip_gen: v7x
topology: tpu7x:2x2x1
jax: 0.10.2.dev20260603
libtpu: 0.0.44.dev20260713+nightly
codegen_flags: <defaults>
</compile_context>

<pallas_src>
import functools

import jax
import jax.numpy as jnp
from jax import lax
from jax.experimental import pallas as pl
from jax.experimental.pallas import tpu as pltpu
from jax.experimental.pallas import tpu_sc as plsc

N = 10000
E = 320000
D = 128
H = 64

NC = 2
NS = 16
NW = NC * NS

EPB = 128
NB = 80
EPAD = NW * NB * EPB
NPAD = 10240
RPS = NPAD // NS

BN = 640
HH = H // 2

_MESH = dict(core_axis_name="c", subcore_axis_name="s")
_SC_PARAMS = pltpu.CompilerParams(use_tc_tiling_on_sc=False,
                                  needs_layout_passes=False)


def _edge_loop(table, src_v, dst_v, rows0, rows1, acc_sh, sem0, sem1):
    pltpu.async_copy(table.at[src_v.at[0]], rows0, sem0)

    def body(t, carry):
        j0 = 2 * t
        j1 = j0 + 1
        j2 = j0 + 2
        pltpu.async_copy(table.at[src_v.at[j1]], rows1, sem1)
        pltpu.make_async_copy(table.at[src_v.at[j0]], rows0, sem0).wait()
        pltpu.sync_copy(rows0, acc_sh.at[dst_v.at[j0]], add=True)

        @pl.when(j2 < NB)
        def _():
            pltpu.async_copy(table.at[src_v.at[j2]], rows0, sem0)

        pltpu.make_async_copy(table.at[src_v.at[j1]], rows1, sem1).wait()
        pltpu.sync_copy(rows1, acc_sh.at[dst_v.at[j1]], add=True)
        return carry

    lax.fori_loop(0, NB // 2, body, 0)



@functools.partial(
    pl.kernel,
    mesh=plsc.VectorSubcoreMesh(**_MESH),
    out_type=[jax.ShapeDtypeStruct((NC, NPAD, H), jnp.float32),
              jax.ShapeDtypeStruct((NPAD,), jnp.float32)],
    scratch_types=[
        pltpu.VMEM((NB, EPB), jnp.int32),
        pltpu.VMEM((NB, EPB), jnp.int32),
        pltpu.VMEM((NB, EPB), jnp.int32),
        pltpu.VMEM((EPB, HH), jnp.float32),
        pltpu.VMEM((EPB, HH), jnp.float32),
        pltpu.VMEM((RPS, H), jnp.float32),
        pltpu.VMEM((RPS,), jnp.float32),
        pltpu.VMEM((EPB,), jnp.float32),
        pltpu.VMEM_SHARED((NPAD, HH), jnp.float32),
        pltpu.VMEM_SHARED((NPAD, HH), jnp.float32),
        pltpu.VMEM_SHARED((NPAD,), jnp.float32),
        pltpu.SemaphoreType.DMA,
        pltpu.SemaphoreType.DMA,
    ],
    compiler_params=_SC_PARAMS,
)
def _sc_layer1(hw_hbm, src_hbm, dst_hbm, zero_hh, zero_1, ones_hbm,
               out_hbm, dis_hbm,
               src_v, dst_v, dstb_v, rows0, rows1, hw_v, dis_v, ones_v,
               table_sh, acc_sh, deg_sh, sem0, sem1):
    cid = lax.axis_index("c")
    sid = lax.axis_index("s")
    wid = sid * NC + cid
    lo = sid * RPS

    pltpu.sync_copy(zero_1.at[pl.ds(lo, RPS)], deg_sh.at[pl.ds(lo, RPS)])
    pltpu.sync_copy(src_hbm.at[wid], src_v)
    pltpu.sync_copy(dst_hbm.at[wid], dst_v)
    pltpu.sync_copy(dst_hbm.at[sid * NC + (1 - cid)], dstb_v)
    pltpu.sync_copy(ones_hbm, ones_v)
    pltpu.sync_copy(hw_hbm.at[pl.ds(lo, RPS)], hw_v)
    plsc.subcore_barrier()

    def deg_body(j, carry):
        pltpu.sync_copy(ones_v, deg_sh.at[dst_v.at[j]], add=True)
        pltpu.sync_copy(ones_v, deg_sh.at[dstb_v.at[j]], add=True)
        return carry

    lax.fori_loop(0, NB, deg_body, 0)
    plsc.subcore_barrier()

    pltpu.sync_copy(deg_sh.at[pl.ds(lo, RPS)], dis_v)
    lane = lax.broadcasted_iota(jnp.int32, (16,), 0)

    def dis_body(k, carry):
        d = dis_v[pl.ds(k * 16, 16)] + 1.0
        i = lax.bitcast_convert_type(d, jnp.int32)
        i = 0x5F3759DF - lax.shift_right_logical(i, 1)
        y = lax.bitcast_convert_type(i, jnp.float32)
        h = 0.5 * d
        y = y * (1.5 - h * y * y)
        y = y * (1.5 - h * y * y)
        y = y * (1.5 - h * y * y)
        row = lane + (lo + k * 16)
        dis_v[pl.ds(k * 16, 16)] = jnp.where(row < N, y, 0.0)
        return carry

    lax.fori_loop(0, RPS // 16, dis_body, 0)

    @pl.when(cid == 0)
    def _():
        pltpu.sync_copy(dis_v, dis_hbm.at[pl.ds(lo, RPS)])

    def scale_body(r, carry):
        dr = plsc.load_gather(dis_v, [jnp.full((16,), r, jnp.int32)])
        for c in range(H // 16):
            hw_v[r, pl.ds(c * 16, 16)] = hw_v[r, pl.ds(c * 16, 16)] * dr
        return carry

    lax.fori_loop(0, RPS, scale_body, 0)

    for c in range(2):
        pltpu.sync_copy(hw_v.at[:, pl.ds(c * HH, HH)],
                        table_sh.at[pl.ds(lo, RPS)])
        pltpu.sync_copy(zero_hh.at[pl.ds(lo, RPS)],
                        acc_sh.at[pl.ds(lo, RPS)])
        plsc.subcore_barrier()
        _edge_loop(table_sh, src_v, dst_v, rows0, rows1, acc_sh, sem0, sem1)
        plsc.subcore_barrier()
        pltpu.sync_copy(acc_sh.at[pl.ds(lo, RPS)],
                        out_hbm.at[cid, pl.ds(lo, RPS), pl.ds(c * HH, HH)])



@functools.partial(
    pl.kernel,
    mesh=plsc.VectorSubcoreMesh(**_MESH),
    out_type=jax.ShapeDtypeStruct((NC, NPAD, H), jnp.float32),
    scratch_types=[
        pltpu.VMEM((NB, EPB), jnp.int32),
        pltpu.VMEM((NB, EPB), jnp.int32),
        pltpu.VMEM((EPB, H), jnp.float32),
        pltpu.VMEM((EPB, H), jnp.float32),
        pltpu.VMEM_SHARED((NPAD, H), jnp.float32),
        pltpu.SemaphoreType.DMA,
        pltpu.SemaphoreType.DMA,
    ],
    compiler_params=_SC_PARAMS,
)
def _sc_edge_sum(g_hbm, src_hbm, dst_hbm, zero_hbm, out_hbm,
                 src_v, dst_v, rows0, rows1, acc_sh, sem0, sem1):
    cid = lax.axis_index("c")
    sid = lax.axis_index("s")
    wid = sid * NC + cid
    pltpu.sync_copy(zero_hbm.at[pl.ds(sid * RPS, RPS)],
                    acc_sh.at[pl.ds(sid * RPS, RPS)])
    pltpu.sync_copy(src_hbm.at[wid], src_v)
    pltpu.sync_copy(dst_hbm.at[wid], dst_v)
    plsc.subcore_barrier()
    _edge_loop(g_hbm, src_v, dst_v, rows0, rows1, acc_sh, sem0, sem1)
    plsc.subcore_barrier()
    pltpu.sync_copy(acc_sh.at[pl.ds(sid * RPS, RPS)],
                    out_hbm.at[cid, pl.ds(sid * RPS, RPS)])



def _tc_matmul(x_ref, w_ref, o_ref):
    o_ref[...] = jnp.dot(x_ref[...], w_ref[...],
                         preferred_element_type=jnp.float32)


def _tc_stage2(p_ref, hw_ref, dis_ref, b_ref, w_ref, out_ref):
    p = p_ref[...]
    dis = dis_ref[...]
    s = p[0] + p[1] + hw_ref[...] * dis
    h = jnp.maximum(s * dis + b_ref[...], 0.0)
    out_ref[...] = jnp.dot(h, w_ref[...],
                           preferred_element_type=jnp.float32) * dis


def _tc_stage3(p_ref, g_ref, dis_ref, b_ref, wo_ref, bo_ref, out_ref):
    p = p_ref[...]
    s = p[0] + p[1] + g_ref[...]
    h = jnp.maximum(s * dis_ref[...] + b_ref[...], 0.0)
    out_ref[...] = jnp.dot(h, wo_ref[...],
                           preferred_element_type=jnp.float32) + bo_ref[...]


def _rows(bn, cols):
    return pl.BlockSpec((bn, cols), lambda i: (i, 0))


def _full(shape):
    return pl.BlockSpec(shape, lambda i: tuple(0 for _ in shape))


def _partials(cols):
    return pl.BlockSpec((NC, BN, cols), lambda i: (0, i, 0))


_GRID = NPAD // BN

_matmul1 = pl.pallas_call(
    _tc_matmul,
    grid=(_GRID,),
    in_specs=[_rows(BN, D), _full((D, H))],
    out_specs=_rows(BN, H),
    out_shape=jax.ShapeDtypeStruct((NPAD, H), jnp.float32),
)

_stage2 = pl.pallas_call(
    _tc_stage2,
    grid=(_GRID,),
    in_specs=[_partials(H), _rows(BN, H), _rows(BN, 1), _full((1, H)),
              _full((H, H))],
    out_specs=_rows(BN, H),
    out_shape=jax.ShapeDtypeStruct((NPAD, H), jnp.float32),
)

_stage3 = pl.pallas_call(
    _tc_stage3,
    grid=(_GRID,),
    in_specs=[_partials(H), _rows(BN, H), _rows(BN, 1), _full((1, H)),
              _full((H, 1)), _full((1, 1))],
    out_specs=_rows(BN, 1),
    out_shape=jax.ShapeDtypeStruct((NPAD, 1), jnp.float32),
)



def kernel(x, edge_index, W1, b1, W2, b2, Wo, bo):
    f32 = jnp.float32
    src = edge_index[0]
    dst = edge_index[1]
    pad = EPAD - E
    pad_idx = (N + (jnp.arange(pad, dtype=jnp.int32) % (NPAD - N)))
    src3 = jnp.concatenate([src, pad_idx]).reshape(NW, NB, EPB)
    dst3 = jnp.concatenate([dst, pad_idx]).reshape(NW, NB, EPB)

    zeros_h = jnp.zeros((NPAD, H), f32)
    zeros_hh = jnp.zeros((NPAD, HH), f32)
    zeros_1 = jnp.zeros((NPAD,), f32)
    ones_e = jnp.ones((EPB,), f32)

    hw1 = _matmul1(x, W1)
    s1, dis1 = _sc_layer1(hw1, src3, dst3, zeros_hh, zeros_1, ones_e)
    dis = dis1.reshape(NPAD, 1)
    g2 = _stage2(s1, hw1, dis, b1.reshape(1, H), W2)
    s2 = _sc_edge_sum(g2, src3, dst3, zeros_h)
    y = _stage3(s2, g2, dis, b2.reshape(1, H), Wo, bo.reshape(1, 1))
    return y[:N, 0]

# --- scband reference (transcript-rebuilt; emitter-appended) ---
"""Pipeline reference for scband-gcn-17145509445674 (READ-ONLY COPY).

The authoritative reference and input builder live on the scoring server;
editing this copy changes nothing except your own understanding.
"""

import jax, jax.numpy as jnp
import numpy as np

N = 10000
E = 320000
D = 128
H = 64

def setup_inputs(seed: int = 0) -> dict:
    key = jax.random.key(seed)
    ks = jax.random.split(key, 8)
    x = jax.random.normal(ks[0], (N, D), dtype=jnp.float32)
    edge_index = jax.random.randint(ks[1], (2, E), 0, N, dtype=jnp.int32)
    W1 = jax.random.normal(ks[2], (D, H), dtype=jnp.float32) / np.sqrt(D)
    b1 = jnp.zeros((H,), dtype=jnp.float32)
    W2 = jax.random.normal(ks[3], (H, H), dtype=jnp.float32) / np.sqrt(H)
    b2 = jnp.zeros((H,), dtype=jnp.float32)
    Wo = jax.random.normal(ks[4], (H, 1), dtype=jnp.float32) / np.sqrt(H)
    bo = jnp.zeros((1,), dtype=jnp.float32)
    return {"x": x, "edge_index": edge_index, "W1": W1, "b1": b1, "W2": W2, "b2": b2, "Wo": Wo, "bo": bo}


def _gcn_conv(h, src, dst, deg_inv_sqrt, W, b):
    # GCNConv: h' = D^{-1/2} (A + I) D^{-1/2} (h W) + b
    n = h.shape[0]
    hw = h @ W
    norm = deg_inv_sqrt[src] * deg_inv_sqrt[dst]
    msg = hw[src] * norm[:, None]
    out = jnp.zeros((n, hw.shape[1]), dtype=hw.dtype).at[dst].add(msg)
    return out + b


def reference(x, edge_index, W1, b1, W2, b2, Wo, bo):
    n = x.shape[0]
    loop = jnp.arange(n, dtype=edge_index.dtype)
    src = jnp.concatenate([edge_index[0], loop])
    dst = jnp.concatenate([edge_index[1], loop])
    deg = jnp.zeros((n,), dtype=jnp.float32).at[dst].add(1.0)
    deg_inv_sqrt = jnp.where(deg > 0, 1.0 / jnp.sqrt(deg), 0.0)
    h = jax.nn.relu(_gcn_conv(x, src, dst, deg_inv_sqrt, W1, b1))
    h = jax.nn.relu(_gcn_conv(h, src, dst, deg_inv_sqrt, W2, b2))
    out = h @ Wo + bo
    return out.squeeze(-1)

if __name__ == "__main__":
    import jax
    _d = setup_inputs()
    print(jax.jit(kernel)(*tuple(_d.values())))

</pallas_src>

<mosaic_0001>
#map = affine_map<(d0, d1) -> (0, 0)>
#map1 = affine_map<(d0, d1) -> (0, 0, 0)>
#map2 = affine_map<(d0, d1) -> (0)>
module attributes {stable_mosaic.version = 14 : i64} {
  func.func @_sc_layer1(%arg0: i32, %arg1: i32, %arg2: memref<10240x64xf32, #tpu.memory_space<hbm>>, %arg3: memref<32x80x128xi32, #tpu.memory_space<hbm>>, %arg4: memref<32x80x128xi32, #tpu.memory_space<hbm>>, %arg5: memref<10240x32xf32, #tpu.memory_space<hbm>>, %arg6: memref<10240xf32, #tpu.memory_space<hbm>>, %arg7: memref<128xf32, #tpu.memory_space<hbm>>, %arg8: memref<2x10240x64xf32, #tpu.memory_space<hbm>>, %arg9: memref<10240xf32, #tpu.memory_space<hbm>>, %arg10: memref<80x128xi32, #tpu.memory_space<vmem>>, %arg11: memref<80x128xi32, #tpu.memory_space<vmem>>, %arg12: memref<80x128xi32, #tpu.memory_space<vmem>>, %arg13: memref<128x32xf32, #tpu.memory_space<vmem>>, %arg14: memref<128x32xf32, #tpu.memory_space<vmem>>, %arg15: memref<640x64xf32, #tpu.memory_space<vmem>>, %arg16: memref<640xf32, #tpu.memory_space<vmem>>, %arg17: memref<128xf32, #tpu.memory_space<vmem>>, %arg18: memref<10240x32xf32, #tpu.memory_space<vmem_shared>>, %arg19: memref<10240x32xf32, #tpu.memory_space<vmem_shared>>, %arg20: memref<10240xf32, #tpu.memory_space<vmem_shared>>, %arg21: memref<!tpu.dma_semaphore, #tpu.memory_space<semaphore_mem>>, %arg22: memref<!tpu.dma_semaphore, #tpu.memory_space<semaphore_mem>>) attributes {dimension_semantics = [#tpu.dimension_semantics<core_parallel>, #tpu.dimension_semantics<subcore_parallel>], iteration_bounds = array<i64: 2, 16>, scalar_prefetch = 0 : i64, scratch_operands = 13 : i64, tpu.core_type = #tpu.core_type<sc_vector_subcore>, window_params = [{transform_indices = #map}, {transform_indices = #map1}, {transform_indices = #map1}, {transform_indices = #map}, {transform_indices = #map2}, {transform_indices = #map2}, {transform_indices = #map1}, {transform_indices = #map2}]} {
    %mul3A = arith.constant 2 : i32
    %mul3A_0 = arith.muli %arg1, %mul3A : i32
    %add3A = arith.addi %mul3A_0, %arg0 : i32
    %mul3A_1 = arith.constant 640 : i32
    %mul3A_2 = arith.muli %arg1, %mul3A_1 : i32
    "tpu.region"() ({
      %run_scoped3A = tpu.sem_alloc : memref<!tpu.dma_semaphore, #tpu.memory_space<semaphore_mem>>
      %dma_start3A_56 = tpu.memref_slice %arg20[%mul3A_2] : memref<10240xf32, #tpu.memory_space<vmem_shared>> -> memref<640xf32, #tpu.memory_space<vmem_shared>>
      %dma_start3A_57 = tpu.memref_slice %arg6[%mul3A_2] : memref<10240xf32, #tpu.memory_space<hbm>> -> memref<640xf32, #tpu.memory_space<hbm>>
      tpu.enqueue_dma source(%dma_start3A_57 : memref<640xf32, #tpu.memory_space<hbm>>) target(%dma_start3A_56 : memref<640xf32, #tpu.memory_space<vmem_shared>>) target_semaphore(%run_scoped3A : memref<!tpu.dma_semaphore, #tpu.memory_space<semaphore_mem>>)
      %dma_wait3A = tpu.memref_slice %arg20[%mul3A_2] : memref<10240xf32, #tpu.memory_space<vmem_shared>> -> memref<640xf32, #tpu.memory_space<vmem_shared>>
      %dma_wait3A_58 = tpu.memref_slice %arg6[%mul3A_2] : memref<10240xf32, #tpu.memory_space<hbm>> -> memref<640xf32, #tpu.memory_space<hbm>>
      tpu.wait_dma2 semaphore(%run_scoped3A : memref<!tpu.dma_semaphore, #tpu.memory_space<semaphore_mem>>) src(%dma_wait3A_58 : memref<640xf32, #tpu.memory_space<hbm>>) dst(%dma_wait3A : memref<640xf32, #tpu.memory_space<vmem_shared>>)
      tpu.yield
    }) : () -> ()
    "tpu.region"() ({
      %run_scoped3A = tpu.sem_alloc : memref<!tpu.dma_semaphore, #tpu.memory_space<semaphore_mem>>
      %dma_start3A_56 = arith.constant 0 : i32
      %dma_start3A_57 = arith.constant 0 : i32
      %dma_start3A_58 = tpu.memref_slice %arg3[%add3A, %dma_start3A_56, %dma_start3A_57] : memref<32x80x128xi32, #tpu.memory_space<hbm>> -> memref<1x80x128xi32, #tpu.memory_space<hbm>>
      %dma_start3A_59 = tpu.memref_squeeze %dma_start3A_58 : memref<1x80x128xi32, #tpu.memory_space<hbm>> -> memref<80x128xi32, #tpu.memory_space<hbm>>
      %dma_start3A_60 = arith.constant 0 : i32
      %dma_start3A_61 = arith.constant 0 : i32
      %dma_start3A_62 = tpu.memref_slice %arg3[%add3A, %dma_start3A_60, %dma_start3A_61] : memref<32x80x128xi32, #tpu.memory_space<hbm>> -> memref<1x80x128xi32, #tpu.memory_space<hbm>>
      %dma_start3A_63 = tpu.memref_squeeze %dma_start3A_62 : memref<1x80x128xi32, #tpu.memory_space<hbm>> -> memref<80x128xi32, #tpu.memory_space<hbm>>
      tpu.enqueue_dma source(%dma_start3A_63 : memref<80x128xi32, #tpu.memory_space<hbm>>) target(%arg10 : memref<80x128xi32, #tpu.memory_space<vmem>>) target_semaphore(%run_scoped3A : memref<!tpu.dma_semaphore, #tpu.memory_space<semaphore_mem>>)
      %dma_wait3A = arith.constant 0 : i32
      %dma_wait3A_64 = arith.constant 0 : i32
      %dma_wait3A_65 = tpu.memref_slice %arg3[%add3A, %dma_wait3A, %dma_wait3A_64] : memref<32x80x128xi32, #tpu.memory_space<hbm>> -> memref<1x80x128xi32, #tpu.memory_space<hbm>>
      %dma_wait3A_66 = tpu.memref_squeeze %dma_wait3A_65 : memref<1x80x128xi32, #tpu.memory_space<hbm>> -> memref<80x128xi32, #tpu.memory_space<hbm>>
      %dma_wait3A_67 = arith.constant 0 : i32
      %dma_wait3A_68 = arith.constant 0 : i32
      %dma_wait3A_69 = tpu.memref_slice %arg3[%add3A, %dma_wait3A_67, %dma_wait3A_68] : memref<32x80x128xi32, #tpu.memory_space<hbm>> -> memref<1x80x128xi32, #tpu.memory_space<hbm>>
      %dma_wait3A_70 = tpu.memref_squeeze %dma_wait3A_69 : memref<1x80x128xi32, #tpu.memory_space<hbm>> -> memref<80x128xi32, #tpu.memory_space<hbm>>
      tpu.wait_dma2 semaphore(%run_scoped3A : memref<!tpu.dma_semaphore, #tpu.memory_space<semaphore_mem>>) src(%dma_wait3A_70 : memref<80x128xi32, #tpu.memory_space<hbm>>) dst(%arg10 : memref<80x128xi32, #tpu.memory_space<vmem>>)
      tpu.yield
    }) : () -> ()
    "tpu.region"() ({
      %run_scoped3A = tpu.sem_alloc : memref<!tpu.dma_semaphore, #tpu.memory_space<semaphore_mem>>
      %dma_start3A_56 = arith.constant 0 : i32
      %dma_start3A_57 = arith.constant 0 : i32
      %dma_start3A_58 = tpu.memref_slice %arg4[%add3A, %dma_start3A_56, %dma_start3A_57] : memref<32x80x128xi32, #tpu.memory_space<hbm>> -> memref<1x80x128xi32, #tpu.memory_space<hbm>>
      %dma_start3A_59 = tpu.memref_squeeze %dma_start3A_58 : memref<1x80x128xi32, #tpu.memory_space<hbm>> -> memref<80x128xi32, #tpu.memory_space<hbm>>
      %dma_start3A_60 = arith.constant 0 : i32
      %dma_start3A_61 = arith.constant 0 : i32
      %dma_start3A_62 = tpu.memref_slice %arg4[%add3A, %dma_start3A_60, %dma_start3A_61] : memref<32x80x128xi32, #tpu.memory_space<hbm>> -> memref<1x80x128xi32, #tpu.memory_space<hbm>>
      %dma_start3A_63 = tpu.memref_squeeze %dma_start3A_62 : memref<1x80x128xi32, #tpu.memory_space<hbm>> -> memref<80x128xi32, #tpu.memory_space<hbm>>
      tpu.enqueue_dma source(%dma_start3A_63 : memref<80x128xi32, #tpu.memory_space<hbm>>) target(%arg11 : memref<80x128xi32, #tpu.memory_space<vmem>>) target_semaphore(%run_scoped3A : memref<!tpu.dma_semaphore, #tpu.memory_space<semaphore_mem>>)
      %dma_wait3A = arith.constant 0 : i32
      %dma_wait3A_64 = arith.constant 0 : i32
      %dma_wait3A_65 = tpu.memref_slice %arg4[%add3A, %dma_wait3A, %dma_wait3A_64] : memref<32x80x128xi32, #tpu.memory_space<hbm>> -> memref<1x80x128xi32, #tpu.memory_space<hbm>>
      %dma_wait3A_66 = tpu.memref_squeeze %dma_wait3A_65 : memref<1x80x128xi32, #tpu.memory_space<hbm>> -> memref<80x128xi32, #tpu.memory_space<hbm>>
      %dma_wait3A_67 = arith.constant 0 : i32
      %dma_wait3A_68 = arith.constant 0 : i32
      %dma_wait3A_69 = tpu.memref_slice %arg4[%add3A, %dma_wait3A_67, %dma_wait3A_68] : memref<32x80x128xi32, #tpu.memory_space<hbm>> -> memref<1x80x128xi32, #tpu.memory_space<hbm>>
      %dma_wait3A_70 = tpu.memref_squeeze %dma_wait3A_69 : memref<1x80x128xi32, #tpu.memory_space<hbm>> -> memref<80x128xi32, #tpu.memory_space<hbm>>
      tpu.wait_dma2 semaphore(%run_scoped3A : memref<!tpu.dma_semaphore, #tpu.memory_space<semaphore_mem>>) src(%dma_wait3A_70 : memref<80x128xi32, #tpu.memory_space<hbm>>) dst(%arg11 : memref<80x128xi32, #tpu.memory_space<vmem>>)
      tpu.yield
    }) : () -> ()
    %mul3A_3 = arith.constant 2 : i32
    %mul3A_4 = arith.muli %arg1, %mul3A_3 : i32
    %sub3A = arith.constant 1 : i32
    %sub3A_5 = arith.subi %sub3A, %arg0 : i32
    %add3A_6 = arith.addi %mul3A_4, %sub3A_5 : i32
    "tpu.region"() ({
      %run_scoped3A = tpu.sem_alloc : memref<!tpu.dma_semaphore, #tpu.memory_space<semaphore_mem>>
      %dma_start3A_56 = arith.constant 0 : i32
      %dma_start3A_57 = arith.constant 0 : i32
      %dma_start3A_58 = tpu.memref_slice %arg4[%add3A_6, %dma_start3A_56, %dma_start3A_57] : memref<32x80x128xi32, #tpu.memory_space<hbm>> -> memref<1x80x128xi32, #tpu.memory_space<hbm>>
      %dma_start3A_59 = tpu.memref_squeeze %dma_start3A_58 : memref<1x80x128xi32, #tpu.memory_space<hbm>> -> memref<80x128xi32, #tpu.memory_space<hbm>>
      %dma_start3A_60 = arith.constant 0 : i32
      %dma_start3A_61 = arith.constant 0 : i32
      %dma_start3A_62 = tpu.memref_slice %arg4[%add3A_6, %dma_start3A_60, %dma_start3A_61] : memref<32x80x128xi32, #tpu.memory_space<hbm>> -> memref<1x80x128xi32, #tpu.memory_space<hbm>>
      %dma_start3A_63 = tpu.memref_squeeze %dma_start3A_62 : memref<1x80x128xi32, #tpu.memory_space<hbm>> -> memref<80x128xi32, #tpu.memory_space<hbm>>
      tpu.enqueue_dma source(%dma_start3A_63 : memref<80x128xi32, #tpu.memory_space<hbm>>) target(%arg12 : memref<80x128xi32, #tpu.memory_space<vmem>>) target_semaphore(%run_scoped3A : memref<!tpu.dma_semaphore, #tpu.memory_space<semaphore_mem>>)
      %dma_wait3A = arith.constant 0 : i32
      %dma_wait3A_64 = arith.constant 0 : i32
      %dma_wait3A_65 = tpu.memref_slice %arg4[%add3A_6, %dma_wait3A, %dma_wait3A_64] : memref<32x80x128xi32, #tpu.memory_space<hbm>> -> memref<1x80x128xi32, #tpu.memory_space<hbm>>
      %dma_wait3A_66 = tpu.memref_squeeze %dma_wait3A_65 : memref<1x80x128xi32, #tpu.memory_space<hbm>> -> memref<80x128xi32, #tpu.memory_space<hbm>>
      %dma_wait3A_67 = arith.constant 0 : i32
      %dma_wait3A_68 = arith.constant 0 : i32
      %dma_wait3A_69 = tpu.memref_slice %arg4[%add3A_6, %dma_wait3A_67, %dma_wait3A_68] : memref<32x80x128xi32, #tpu.memory_space<hbm>> -> memref<1x80x128xi32, #tpu.memory_space<hbm>>
      %dma_wait3A_70 = tpu.memref_squeeze %dma_wait3A_69 : memref<1x80x128xi32, #tpu.memory_space<hbm>> -> memref<80x128xi32, #tpu.memory_space<hbm>>
      tpu.wait_dma2 semaphore(%run_scoped3A : memref<!tpu.dma_semaphore, #tpu.memory_space<semaphore_mem>>) src(%dma_wait3A_70 : memref<80x128xi32, #tpu.memory_space<hbm>>) dst(%arg12 : memref<80x128xi32, #tpu.memory_space<vmem>>)
      tpu.yield
    }) : () -> ()
    "tpu.region"() ({
      %run_scoped3A = tpu.sem_alloc : memref<!tpu.dma_semaphore, #tpu.memory_space<semaphore_mem>>
      tpu.enqueue_dma source(%arg7 : memref<128xf32, #tpu.memory_space<hbm>>) target(%arg17 : memref<128xf32, #tpu.memory_space<vmem>>) target_semaphore(%run_scoped3A : memref<!tpu.dma_semaphore, #tpu.memory_space<semaphore_mem>>)
      tpu.wait_dma2 semaphore(%run_scoped3A : memref<!tpu.dma_semaphore, #tpu.memory_space<semaphore_mem>>) src(%arg7 : memref<128xf32, #tpu.memory_space<hbm>>) dst(%arg17 : memref<128xf32, #tpu.memory_space<vmem>>)
      tpu.yield
    }) : () -> ()
    "tpu.region"() ({
      %run_scoped3A = tpu.sem_alloc : memref<!tpu.dma_semaphore, #tpu.memory_space<semaphore_mem>>
      %dma_start3A_56 = arith.constant 0 : i32
      %dma_start3A_57 = tpu.memref_slice %arg2[%mul3A_2, %dma_start3A_56] : memref<10240x64xf32, #tpu.memory_space<hbm>> -> memref<640x64xf32, #tpu.memory_space<hbm>>
      %dma_start3A_58 = arith.constant 0 : i32
      %dma_start3A_59 = tpu.memref_slice %arg2[%mul3A_2, %dma_start3A_58] : memref<10240x64xf32, #tpu.memory_space<hbm>> -> memref<640x64xf32, #tpu.memory_space<hbm>>
      tpu.enqueue_dma source(%dma_start3A_59 : memref<640x64xf32, #tpu.memory_space<hbm>>) target(%arg15 : memref<640x64xf32, #tpu.memory_space<vmem>>) target_semaphore(%run_scoped3A : memref<!tpu.dma_semaphore, #tpu.memory_space<semaphore_mem>>)
      %dma_wait3A = arith.constant 0 : i32
      %dma_wait3A_60 = tpu.memref_slice %arg2[%mul3A_2, %dma_wait3A] : memref<10240x64xf32, #tpu.memory_space<hbm>> -> memref<640x64xf32, #tpu.memory_space<hbm>>
      %dma_wait3A_61 = arith.constant 0 : i32
      %dma_wait3A_62 = tpu.memref_slice %arg2[%mul3A_2, %dma_wait3A_61] : memref<10240x64xf32, #tpu.memory_space<hbm>> -> memref<640x64xf32, #tpu.memory_space<hbm>>
      tpu.wait_dma2 semaphore(%run_scoped3A : memref<!tpu.dma_semaphore, #tpu.memory_space<semaphore_mem>>) src(%dma_wait3A_62 : memref<640x64xf32, #tpu.memory_space<hbm>>) dst(%arg15 : memref<640x64xf32, #tpu.memory_space<vmem>>)
      tpu.yield
    }) : () -> ()
    %barrier3A = arith.constant 0 : index
    tpu.barrier barrier_id(%barrier3A)
    %scan3A = arith.constant 0 : i32
    %scan3A_7 = arith.constant 0 : i32
    %scan3A_8 = arith.constant 80 : i32
    %scan3A_9 = arith.addi %scan3A_7, %scan3A_8 : i32
    %scan3A_10 = arith.constant 1 : i32
    scf.for %scan3A_56 = %scan3A_7 to %scan3A_9 step %scan3A_10  : i32 {
      "tpu.region"() ({
        %run_scoped3A = tpu.sem_alloc : memref<!tpu.dma_semaphore, #tpu.memory_space<semaphore_mem>>
        %dma_start3A_57 = arith.constant 0 : i32
        %dma_start3A_58 = tpu.memref_slice %arg11[%scan3A_56, %dma_start3A_57] : memref<80x128xi32, #tpu.memory_space<vmem>> -> memref<1x128xi32, #tpu.memory_space<vmem>>
        %dma_start3A_59 = tpu.memref_squeeze %dma_start3A_58 : memref<1x128xi32, #tpu.memory_space<vmem>> -> memref<128xi32, #tpu.memory_space<vmem>>
        %dma_start3A_60 = arith.constant 0 : i32
        %dma_start3A_61 = tpu.memref_slice %arg20[%dma_start3A_60] : memref<10240xf32, #tpu.memory_space<vmem_shared>> -> memref<10240xf32, #tpu.memory_space<vmem_shared>>
        tpu.enqueue_indirect_dma source(%arg17 : memref<128xf32, #tpu.memory_space<vmem>>) target(%dma_start3A_61 : memref<10240xf32, #tpu.memory_space<vmem_shared>>) offsets(%dma_start3A_59 : memref<128xi32, #tpu.memory_space<vmem>>) semaphore(%run_scoped3A : memref<!tpu.dma_semaphore, #tpu.memory_space<semaphore_mem>>) {add = true}
        %dma_wait3A = arith.constant 0 : i32
        %dma_wait3A_62 = tpu.memref_slice %arg11[%scan3A_56, %dma_wait3A] : memref<80x128xi32, #tpu.memory_space<vmem>> -> memref<1x128xi32, #tpu.memory_space<vmem>>
        %dma_wait3A_63 = tpu.memref_squeeze %dma_wait3A_62 : memref<1x128xi32, #tpu.memory_space<vmem>> -> memref<128xi32, #tpu.memory_space<vmem>>
        %dma_wait3A_64 = arith.constant 0 : i32
        %dma_wait3A_65 = tpu.memref_slice %arg20[%dma_wait3A_64] : memref<10240xf32, #tpu.memory_space<vmem_shared>> -> memref<10240xf32, #tpu.memory_space<vmem_shared>>
        tpu.wait_indirect_dma semaphore(%run_scoped3A : memref<!tpu.dma_semaphore, #tpu.memory_space<semaphore_mem>>) src(%arg17 : memref<128xf32, #tpu.memory_space<vmem>>) dst(%dma_wait3A_65 : memref<10240xf32, #tpu.memory_space<vmem_shared>>)
        tpu.yield
      }) : () -> ()
      "tpu.region"() ({
        %run_scoped3A = tpu.sem_alloc : memref<!tpu.dma_semaphore, #tpu.memory_space<semaphore_mem>>
        %dma_start3A_57 = arith.constant 0 : i32
        %dma_start3A_58 = tpu.memref_slice %arg12[%scan3A_56, %dma_start3A_57] : memref<80x128xi32, #tpu.memory_space<vmem>> -> memref<1x128xi32, #tpu.memory_space<vmem>>
        %dma_start3A_59 = tpu.memref_squeeze %dma_start3A_58 : memref<1x128xi32, #tpu.memory_space<vmem>> -> memref<128xi32, #tpu.memory_space<vmem>>
        %dma_start3A_60 = arith.constant 0 : i32
        %dma_start3A_61 = tpu.memref_slice %arg20[%dma_start3A_60] : memref<10240xf32, #tpu.memory_space<vmem_shared>> -> memref<10240xf32, #tpu.memory_space<vmem_shared>>
        tpu.enqueue_indirect_dma source(%arg17 : memref<128xf32, #tpu.memory_space<vmem>>) target(%dma_start3A_61 : memref<10240xf32, #tpu.memory_space<vmem_shared>>) offsets(%dma_start3A_59 : memref<128xi32, #tpu.memory_space<vmem>>) semaphore(%run_scoped3A : memref<!tpu.dma_semaphore, #tpu.memory_space<semaphore_mem>>) {add = true}
        %dma_wait3A = arith.constant 0 : i32
        %dma_wait3A_62 = tpu.memref_slice %arg12[%scan3A_56, %dma_wait3A] : memref<80x128xi32, #tpu.memory_space<vmem>> -> memref<1x128xi32, #tpu.memory_space<vmem>>
        %dma_wait3A_63 = tpu.memref_squeeze %dma_wait3A_62 : memref<1x128xi32, #tpu.memory_space<vmem>> -> memref<128xi32, #tpu.memory_space<vmem>>
        %dma_wait3A_64 = arith.constant 0 : i32
        %dma_wait3A_65 = tpu.memref_slice %arg20[%dma_wait3A_64] : memref<10240xf32, #tpu.memory_space<vmem_shared>> -> memref<10240xf32, #tpu.memory_space<vmem_shared>>
        tpu.wait_indirect_dma semaphore(%run_scoped3A : memref<!tpu.dma_semaphore, #tpu.memory_space<semaphore_mem>>) src(%arg17 : memref<128xf32, #tpu.memory_space<vmem>>) dst(%dma_wait3A_65 : memref<10240xf32, #tpu.memory_space<vmem_shared>>)
        tpu.yield
      }) : () -> ()
    }
    %scan3A_11 = arith.constant 80 : i32
    %barrier3A_12 = arith.constant 0 : index
    tpu.barrier barrier_id(%barrier3A_12)
    "tpu.region"() ({
      %run_scoped3A = tpu.sem_alloc : memref<!tpu.dma_semaphore, #tpu.memory_space<semaphore_mem>>
      %dma_start3A_56 = tpu.memref_slice %arg20[%mul3A_2] : memref<10240xf32, #tpu.memory_space<vmem_shared>> -> memref<640xf32, #tpu.memory_space<vmem_shared>>
      %dma_start3A_57 = tpu.memref_slice %arg20[%mul3A_2] : memref<10240xf32, #tpu.memory_space<vmem_shared>> -> memref<640xf32, #tpu.memory_space<vmem_shared>>
      tpu.enqueue_dma source(%dma_start3A_57 : memref<640xf32, #tpu.memory_space<vmem_shared>>) target(%arg16 : memref<640xf32, #tpu.memory_space<vmem>>) target_semaphore(%run_scoped3A : memref<!tpu.dma_semaphore, #tpu.memory_space<semaphore_mem>>)
      %dma_wait3A = tpu.memref_slice %arg20[%mul3A_2] : memref<10240xf32, #tpu.memory_space<vmem_shared>> -> memref<640xf32, #tpu.memory_space<vmem_shared>>
      %dma_wait3A_58 = tpu.memref_slice %arg20[%mul3A_2] : memref<10240xf32, #tpu.memory_space<vmem_shared>> -> memref<640xf32, #tpu.memory_space<vmem_shared>>
      tpu.wait_dma2 semaphore(%run_scoped3A : memref<!tpu.dma_semaphore, #tpu.memory_space<semaphore_mem>>) src(%dma_wait3A_58 : memref<640xf32, #tpu.memory_space<vmem_shared>>) dst(%arg16 : memref<640xf32, #tpu.memory_space<vmem>>)
      tpu.yield
    }) : () -> ()
    %iota3A = tpu.iota {dimensions = array<i32: 0>} : vector<16xi32>
    %scan3A_13 = arith.constant 0 : i32
    %scan3A_14 = arith.constant 0 : i32
    %scan3A_15 = arith.constant 40 : i32
    %scan3A_16 = arith.addi %scan3A_14, %scan3A_15 : i32
    %scan3A_17 = arith.constant 1 : i32
    scf.for %scan3A_56 = %scan3A_14 to %scan3A_16 step %scan3A_17  : i32 {
      %mul3A_57 = arith.constant 16 : i32
      %mul3A_58 = arith.muli %scan3A_56, %mul3A_57 : i32
      %get3A = arith.index_cast %mul3A_58 : i32 to index
      %get3A_59 = tpu.vector_load %arg16[%get3A] {strides = array<i32>} : memref<640xf32, #tpu.memory_space<vmem>>, vector<16xf32>,
      %add3A_60 = arith.constant 1.000000e+00 : f32
      %add3A_61 = vector.broadcast %add3A_60 : f32 to vector<16xf32>
      %add3A_62 = arith.addf %get3A_59, %add3A_61 : vector<16xf32>
      %bitcast_convert_type3A = tpu.bitcast %add3A_62 : vector<16xf32> -> vector<16xi32>
      %shift_right_logical3A = arith.constant 1 : i32
      %shift_right_logical3A_63 = vector.broadcast %shift_right_logical3A : i32 to vector<16xi32>
      %shift_right_logical3A_64 = arith.shrui %bitcast_convert_type3A, %shift_right_logical3A_63 : vector<16xi32>
      %sub3A_65 = arith.constant 1597463007 : i32
      %sub3A_66 = vector.broadcast %sub3A_65 : i32 to vector<16xi32>
      %sub3A_67 = arith.subi %sub3A_66, %shift_right_logical3A_64 : vector<16xi32>
      %bitcast_convert_type3A_68 = tpu.bitcast %sub3A_67 : vector<16xi32> -> vector<16xf32>
      %mul3A_69 = arith.constant 5.000000e-01 : f32
      %mul3A_70 = vector.broadcast %mul3A_69 : f32 to vector<16xf32>
      %mul3A_71 = arith.mulf %mul3A_70, %add3A_62 : vector<16xf32>
      %mul3A_72 = arith.mulf %mul3A_71, %bitcast_convert_type3A_68 : vector<16xf32>
      %mul3A_73 = arith.mulf %mul3A_72, %bitcast_convert_type3A_68 : vector<16xf32>
      %sub3A_74 = arith.constant 1.500000e+00 : f32
      %sub3A_75 = vector.broadcast %sub3A_74 : f32 to vector<16xf32>
      %sub3A_76 = arith.subf %sub3A_75, %mul3A_73 : vector<16xf32>
      %mul3A_77 = arith.mulf %bitcast_convert_type3A_68, %sub3A_76 : vector<16xf32>
      %mul3A_78 = arith.mulf %mul3A_71, %mul3A_77 : vector<16xf32>
      %mul3A_79 = arith.mulf %mul3A_78, %mul3A_77 : vector<16xf32>
      %sub3A_80 = arith.constant 1.500000e+00 : f32
      %sub3A_81 = vector.broadcast %sub3A_80 : f32 to vector<16xf32>
      %sub3A_82 = arith.subf %sub3A_81, %mul3A_79 : vector<16xf32>
      %mul3A_83 = arith.mulf %mul3A_77, %sub3A_82 : vector<16xf32>
      %mul3A_84 = arith.mulf %mul3A_71, %mul3A_83 : vector<16xf32>
      %mul3A_85 = arith.mulf %mul3A_84, %mul3A_83 : vector<16xf32>
      %sub3A_86 = arith.constant 1.500000e+00 : f32
      %sub3A_87 = vector.broadcast %sub3A_86 : f32 to vector<16xf32>
      %sub3A_88 = arith.subf %sub3A_87, %mul3A_85 : vector<16xf32>
      %mul3A_89 = arith.mulf %mul3A_83, %sub3A_88 : vector<16xf32>
      %mul3A_90 = arith.constant 16 : i32
      %mul3A_91 = arith.muli %scan3A_56, %mul3A_90 : i32
      %add3A_92 = arith.addi %mul3A_2, %mul3A_91 : i32
      %add3A_93 = vector.broadcast %add3A_92 : i32 to vector<16xi32>
      %add3A_94 = arith.addi %iota3A, %add3A_93 : vector<16xi32>
      %lt3A = arith.constant 10000 : i32
      %lt3A_95 = vector.broadcast %lt3A : i32 to vector<16xi32>
      %lt3A_96 = arith.cmpi slt, %add3A_94, %lt3A_95 : vector<16xi32>
      %jit3A = arith.constant 0.000000e+00 : f32
      %broadcast_in_dim3A = vector.broadcast %jit3A : f32 to vector<16xf32>
      %select_n3A = arith.select %lt3A_96, %mul3A_89, %broadcast_in_dim3A : vector<16xi1>, vector<16xf32>
      %mul3A_97 = arith.constant 16 : i32
      %mul3A_98 = arith.muli %scan3A_56, %mul3A_97 : i32
      %swap3A = arith.index_cast %mul3A_98 : i32 to index
      %swap3A_99 = tpu.vector_load %arg16[%swap3A] {strides = array<i32>} : memref<640xf32, #tpu.memory_space<vmem>>, vector<16xf32>,
      tpu.vector_store %arg16[%swap3A], %select_n3A {strides = array<i32>} : memref<640xf32, #tpu.memory_space<vmem>>, vector<16xf32>,
    }
    %scan3A_18 = arith.constant 40 : i32
    %eq3A = arith.constant 0 : i32
    %eq3A_19 = arith.cmpi eq, %arg0, %eq3A : i32
    %convert_element_type3A = arith.extui %eq3A_19 : i1 to i32
    %cond3A = arith.constant 0 : i32
    %cond3A_20 = arith.cmpi ne, %convert_element_type3A, %cond3A : i32
    scf.if %cond3A_20 {
      "tpu.region"() ({
        %run_scoped3A = tpu.sem_alloc : memref<!tpu.dma_semaphore, #tpu.memory_space<semaphore_mem>>
        %dma_start3A_56 = tpu.memref_slice %arg9[%mul3A_2] : memref<10240xf32, #tpu.memory_space<hbm>> -> memref<640xf32, #tpu.memory_space<hbm>>
        %dma_start3A_57 = tpu.memref_slice %arg9[%mul3A_2] : memref<10240xf32, #tpu.memory_space<hbm>> -> memref<640xf32, #tpu.memory_space<hbm>>
        tpu.enqueue_dma source(%arg16 : memref<640xf32, #tpu.memory_space<vmem>>) target(%dma_start3A_57 : memref<640xf32, #tpu.memory_space<hbm>>) target_semaphore(%run_scoped3A : memref<!tpu.dma_semaphore, #tpu.memory_space<semaphore_mem>>)
        %dma_wait3A = tpu.memref_slice %arg9[%mul3A_2] : memref<10240xf32, #tpu.memory_space<hbm>> -> memref<640xf32, #tpu.memory_space<hbm>>
        %dma_wait3A_58 = tpu.memref_slice %arg9[%mul3A_2] : memref<10240xf32, #tpu.memory_space<hbm>> -> memref<640xf32, #tpu.memory_space<hbm>>
        tpu.wait_dma2 semaphore(%run_scoped3A : memref<!tpu.dma_semaphore, #tpu.memory_space<semaphore_mem>>) src(%arg16 : memref<640xf32, #tpu.memory_space<vmem>>) dst(%dma_wait3A_58 : memref<640xf32, #tpu.memory_space<hbm>>)
        tpu.yield
      }) : () -> ()
    } else {
    }
    %scan3A_21 = arith.constant 0 : i32
    %scan3A_22 = arith.constant 0 : i32
    %scan3A_23 = arith.constant 640 : i32
    %scan3A_24 = arith.addi %scan3A_22, %scan3A_23 : i32
    %scan3A_25 = arith.constant 1 : i32
    scf.for %scan3A_56 = %scan3A_22 to %scan3A_24 step %scan3A_25  : i32 {
      %broadcast_in_dim3A = vector.broadcast %scan3A_56 : i32 to vector<16xi32>
      %gather3A = tpu.vector_load_idx %arg16[%broadcast_in_dim3A] : memref<640xf32, #tpu.memory_space<vmem>>[vector<16xi32>], vector<16xf32>,
      %get3A = arith.index_cast %scan3A_56 : i32 to index
      %get3A_57 = arith.constant 0 : index
      %get3A_58 = tpu.vector_load %arg15[%get3A, %get3A_57] {strides = array<i32>} : memref<640x64xf32, #tpu.memory_space<vmem>>, vector<16xf32>,
      %mul3A_59 = arith.mulf %get3A_58, %gather3A : vector<16xf32>
      %swap3A = arith.index_cast %scan3A_56 : i32 to index
      %swap3A_60 = arith.constant 0 : index
      %swap3A_61 = tpu.vector_load %arg15[%swap3A, %swap3A_60] {strides = array<i32>} : memref<640x64xf32, #tpu.memory_space<vmem>>, vector<16xf32>,
      tpu.vector_store %arg15[%swap3A, %swap3A_60], %mul3A_59 {strides = array<i32>} : memref<640x64xf32, #tpu.memory_space<vmem>>, vector<16xf32>,
      %get3A_62 = arith.index_cast %scan3A_56 : i32 to index
      %get3A_63 = arith.constant 16 : index
      %get3A_64 = tpu.vector_load %arg15[%get3A_62, %get3A_63] {strides = array<i32>} : memref<640x64xf32, #tpu.memory_space<vmem>>, vector<16xf32>,
      %mul3A_65 = arith.mulf %get3A_64, %gather3A : vector<16xf32>
      %swap3A_66 = arith.index_cast %scan3A_56 : i32 to index
      %swap3A_67 = arith.constant 16 : index
      %swap3A_68 = tpu.vector_load %arg15[%swap3A_66, %swap3A_67] {strides = array<i32>} : memref<640x64xf32, #tpu.memory_space<vmem>>, vector<16xf32>,
      tpu.vector_store %arg15[%swap3A_66, %swap3A_67], %mul3A_65 {strides = array<i32>} : memref<640x64xf32, #tpu.memory_space<vmem>>, vector<16xf32>,
      %get3A_69 = arith.index_cast %scan3A_56 : i32 to index
      %get3A_70 = arith.constant 32 : index
      %get3A_71 = tpu.vector_load %arg15[%get3A_69, %get3A_70] {strides = array<i32>} : memref<640x64xf32, #tpu.memory_space<vmem>>, vector<16xf32>,
      %mul3A_72 = arith.mulf %get3A_71, %gather3A : vector<16xf32>
      %swap3A_73 = arith.index_cast %scan3A_56 : i32 to index
      %swap3A_74 = arith.constant 32 : index
      %swap3A_75 = tpu.vector_load %arg15[%swap3A_73, %swap3A_74] {strides = array<i32>} : memref<640x64xf32, #tpu.memory_space<vmem>>, vector<16xf32>,
      tpu.vector_store %arg15[%swap3A_73, %swap3A_74], %mul3A_72 {strides = array<i32>} : memref<640x64xf32, #tpu.memory_space<vmem>>, vector<16xf32>,
      %get3A_76 = arith.index_cast %scan3A_56 : i32 to index
      %get3A_77 = arith.constant 48 : index
      %get3A_78 = tpu.vector_load %arg15[%get3A_76, %get3A_77] {strides = array<i32>} : memref<640x64xf32, #tpu.memory_space<vmem>>, vector<16xf32>,
      %mul3A_79 = arith.mulf %get3A_78, %gather3A : vector<16xf32>
      %swap3A_80 = arith.index_cast %scan3A_56 : i32 to index
      %swap3A_81 = arith.constant 48 : index
      %swap3A_82 = tpu.vector_load %arg15[%swap3A_80, %swap3A_81] {strides = array<i32>} : memref<640x64xf32, #tpu.memory_space<vmem>>, vector<16xf32>,
      tpu.vector_store %arg15[%swap3A_80, %swap3A_81], %mul3A_79 {strides = array<i32>} : memref<640x64xf32, #tpu.memory_space<vmem>>, vector<16xf32>,
    }
    %scan3A_26 = arith.constant 640 : i32
    "tpu.region"() ({
      %run_scoped3A = tpu.sem_alloc : memref<!tpu.dma_semaphore, #tpu.memory_space<semaphore_mem>>
      %dma_start3A_56 = arith.constant 0 : i32
      %dma_start3A_57 = arith.constant 0 : i32
      %dma_start3A_58 = tpu.memref_slice %arg15[%dma_start3A_56, %dma_start3A_57] : memref<640x64xf32, #tpu.memory_space<vmem>> -> memref<640x32xf32, #tpu.memory_space<vmem>>
      %dma_start3A_59 = arith.constant 0 : i32
      %dma_start3A_60 = tpu.memref_slice %arg18[%mul3A_2, %dma_start3A_59] : memref<10240x32xf32, #tpu.memory_space<vmem_shared>> -> memref<640x32xf32, #tpu.memory_space<vmem_shared>>
      %dma_start3A_61 = arith.constant 0 : i32
      %dma_start3A_62 = tpu.memref_slice %arg18[%mul3A_2, %dma_start3A_61] : memref<10240x32xf32, #tpu.memory_space<vmem_shared>> -> memref<640x32xf32, #tpu.memory_space<vmem_shared>>
      %dma_start3A_63 = arith.constant 0 : i32
      %dma_start3A_64 = arith.constant 0 : i32
      %dma_start3A_65 = tpu.memref_slice %arg15[%dma_start3A_63, %dma_start3A_64] : memref<640x64xf32, #tpu.memory_space<vmem>> -> memref<640x32xf32, #tpu.memory_space<vmem>>
      tpu.enqueue_dma source(%dma_start3A_65 : memref<640x32xf32, #tpu.memory_space<vmem>>) target(%dma_start3A_62 : memref<640x32xf32, #tpu.memory_space<vmem_shared>>) target_semaphore(%run_scoped3A : memref<!tpu.dma_semaphore, #tpu.memory_space<semaphore_mem>>)
      %dma_wait3A = arith.constant 0 : i32
      %dma_wait3A_66 = arith.constant 0 : i32
      %dma_wait3A_67 = tpu.memref_slice %arg15[%dma_wait3A, %dma_wait3A_66] : memref<640x64xf32, #tpu.memory_space<vmem>> -> memref<640x32xf32, #tpu.memory_space<vmem>>
      %dma_wait3A_68 = arith.constant 0 : i32
      %dma_wait3A_69 = tpu.memref_slice %arg18[%mul3A_2, %dma_wait3A_68] : memref<10240x32xf32, #tpu.memory_space<vmem_shared>> -> memref<640x32xf32, #tpu.memory_space<vmem_shared>>
      %dma_wait3A_70 = arith.constant 0 : i32
      %dma_wait3A_71 = tpu.memref_slice %arg18[%mul3A_2, %dma_wait3A_70] : memref<10240x32xf32, #tpu.memory_space<vmem_shared>> -> memref<640x32xf32, #tpu.memory_space<vmem_shared>>
      %dma_wait3A_72 = arith.constant 0 : i32
      %dma_wait3A_73 = arith.constant 0 : i32
      %dma_wait3A_74 = tpu.memref_slice %arg15[%dma_wait3A_72, %dma_wait3A_73] : memref<640x64xf32, #tpu.memory_space<vmem>> -> memref<640x32xf32, #tpu.memory_space<vmem>>
      tpu.wait_dma2 semaphore(%run_scoped3A : memref<!tpu.dma_semaphore, #tpu.memory_space<semaphore_mem>>) src(%dma_wait3A_74 : memref<640x32xf32, #tpu.memory_space<vmem>>) dst(%dma_wait3A_71 : memref<640x32xf32, #tpu.memory_space<vmem_shared>>)
      tpu.yield
    }) : () -> ()
    "tpu.region"() ({
      %run_scoped3A = tpu.sem_alloc : memref<!tpu.dma_semaphore, #tpu.memory_space<semaphore_mem>>
      %dma_start3A_56 = arith.constant 0 : i32
      %dma_start3A_57 = tpu.memref_slice %arg19[%mul3A_2, %dma_start3A_56] : memref<10240x32xf32, #tpu.memory_space<vmem_shared>> -> memref<640x32xf32, #tpu.memory_space<vmem_shared>>
      %dma_start3A_58 = arith.constant 0 : i32
      %dma_start3A_59 = tpu.memref_slice %arg5[%mul3A_2, %dma_start3A_58] : memref<10240x32xf32, #tpu.memory_space<hbm>> -> memref<640x32xf32, #tpu.memory_space<hbm>>
      tpu.enqueue_dma source(%dma_start3A_59 : memref<640x32xf32, #tpu.memory_space<hbm>>) target(%dma_start3A_57 : memref<640x32xf32, #tpu.memory_space<vmem_shared>>) target_semaphore(%run_scoped3A : memref<!tpu.dma_semaphore, #tpu.memory_space<semaphore_mem>>)
      %dma_wait3A = arith.constant 0 : i32
      %dma_wait3A_60 = tpu.memref_slice %arg19[%mul3A_2, %dma_wait3A] : memref<10240x32xf32, #tpu.memory_space<vmem_shared>> -> memref<640x32xf32, #tpu.memory_space<vmem_shared>>
      %dma_wait3A_61 = arith.constant 0 : i32
      %dma_wait3A_62 = tpu.memref_slice %arg5[%mul3A_2, %dma_wait3A_61] : memref<10240x32xf32, #tpu.memory_space<hbm>> -> memref<640x32xf32, #tpu.memory_space<hbm>>
      tpu.wait_dma2 semaphore(%run_scoped3A : memref<!tpu.dma_semaphore, #tpu.memory_space<semaphore_mem>>) src(%dma_wait3A_62 : memref<640x32xf32, #tpu.memory_space<hbm>>) dst(%dma_wait3A_60 : memref<640x32xf32, #tpu.memory_space<vmem_shared>>)
      tpu.yield
    }) : () -> ()
    %barrier3A_27 = arith.constant 0 : index
    tpu.barrier barrier_id(%barrier3A_27)
    %dma_start3A = arith.constant 0 : i32
    %dma_start3A_28 = arith.constant 0 : i32
    %dma_start3A_29 = tpu.memref_slice %arg10[%dma_start3A, %dma_start3A_28] : memref<80x128xi32, #tpu.memory_space<vmem>> -> memref<1x128xi32, #tpu.memory_space<vmem>>
    %dma_start3A_30 = tpu.memref_squeeze %dma_start3A_29 : memref<1x128xi32, #tpu.memory_space<vmem>> -> memref<128xi32, #tpu.memory_space<vmem>>
    %dma_start3A_31 = arith.constant 0 : i32
    %dma_start3A_32 = arith.constant 0 : i32
    %dma_start3A_33 = tpu.memref_slice %arg18[%dma_start3A_31, %dma_start3A_32] : memref<10240x32xf32, #tpu.memory_space<vmem_shared>> -> memref<10240x32xf32, #tpu.memory_space<vmem_shared>>
    tpu.enqueue_indirect_dma source(%dma_start3A_33 : memref<10240x32xf32, #tpu.memory_space<vmem_shared>>) target(%arg13 : memref<128x32xf32, #tpu.memory_space<vmem>>) offsets(%dma_start3A_30 : memref<128xi32, #tpu.memory_space<vmem>>) semaphore(%arg21 : memref<!tpu.dma_semaphore, #tpu.memory_space<semaphore_mem>>)
    %scan3A_34 = arith.constant 0 : i32
    %scan3A_35 = arith.constant 0 : i32
    %scan3A_36 = arith.constant 40 : i32
    %scan3A_37 = arith.addi %scan3A_35, %scan3A_36 : i32
    %scan3A_38 = arith.constant 1 : i32
    scf.for %scan3A_56 = %scan3A_35 to %scan3A_37 step %scan3A_38  : i32 {
      %mul3A_57 = arith.constant 2 : i32
      %mul3A_58 = arith.muli %mul3A_57, %scan3A_56 : i32
      %add3A_59 = arith.constant 1 : i32
      %add3A_60 = arith.addi %mul3A_58, %add3A_59 : i32
      %add3A_61 = arith.constant 2 : i32
      %add3A_62 = arith.addi %mul3A_58, %add3A_61 : i32
      %dma_start3A_63 = arith.constant 0 : i32
      %dma_start3A_64 = tpu.memref_slice %arg10[%add3A_60, %dma_start3A_63] : memref<80x128xi32, #tpu.memory_space<vmem>> -> memref<1x128xi32, #tpu.memory_space<vmem>>
      %dma_start3A_65 = tpu.memref_squeeze %dma_start3A_64 : memref<1x128xi32, #tpu.memory_space<vmem>> -> memref<128xi32, #tpu.memory_space<vmem>>
      %dma_start3A_66 = arith.constant 0 : i32
      %dma_start3A_67 = arith.constant 0 : i32
      %dma_start3A_68 = tpu.memref_slice %arg18[%dma_start3A_66, %dma_start3A_67] : memref<10240x32xf32, #tpu.memory_space<vmem_shared>> -> memref<10240x32xf32, #tpu.memory_space<vmem_shared>>
      tpu.enqueue_indirect_dma source(%dma_start3A_68 : memref<10240x32xf32, #tpu.memory_space<vmem_shared>>) target(%arg14 : memref<128x32xf32, #tpu.memory_space<vmem>>) offsets(%dma_start3A_65 : memref<128xi32, #tpu.memory_space<vmem>>) semaphore(%arg22 : memref<!tpu.dma_semaphore, #tpu.memory_space<semaphore_mem>>)
      %dma_wait3A = arith.constant 0 : i32
      %dma_wait3A_69 = tpu.memref_slice %arg10[%mul3A_58, %dma_wait3A] : memref<80x128xi32, #tpu.memory_space<vmem>> -> memref<1x128xi32, #tpu.memory_space<vmem>>
      %dma_wait3A_70 = tpu.memref_squeeze %dma_wait3A_69 : memref<1x128xi32, #tpu.memory_space<vmem>> -> memref<128xi32, #tpu.memory_space<vmem>>
      %dma_wait3A_71 = arith.constant 0 : i32
      %dma_wait3A_72 = arith.constant 0 : i32
      %dma_wait3A_73 = tpu.memref_slice %arg18[%dma_wait3A_71, %dma_wait3A_72] : memref<10240x32xf32, #tpu.memory_space<vmem_shared>> -> memref<10240x32xf32, #tpu.memory_space<vmem_shared>>
      tpu.wait_indirect_dma semaphore(%arg21 : memref<!tpu.dma_semaphore, #tpu.memory_space<semaphore_mem>>) src(%dma_wait3A_73 : memref<10240x32xf32, #tpu.memory_space<vmem_shared>>) dst(%arg13 : memref<128x32xf32, #tpu.memory_space<vmem>>)
      "tpu.region"() ({
        %run_scoped3A = tpu.sem_alloc : memref<!tpu.dma_semaphore, #tpu.memory_space<semaphore_mem>>
        %dma_start3A_84 = arith.constant 0 : i32
        %dma_start3A_85 = tpu.memref_slice %arg11[%mul3A_58, %dma_start3A_84] : memref<80x128xi32, #tpu.memory_space<vmem>> -> memref<1x128xi32, #tpu.memory_space<vmem>>
        %dma_start3A_86 = tpu.memref_squeeze %dma_start3A_85 : memref<1x128xi32, #tpu.memory_space<vmem>> -> memref<128xi32, #tpu.memory_space<vmem>>
        %dma_start3A_87 = arith.constant 0 : i32
        %dma_start3A_88 = arith.constant 0 : i32
        %dma_start3A_89 = tpu.memref_slice %arg19[%dma_start3A_87, %dma_start3A_88] : memref<10240x32xf32, #tpu.memory_space<vmem_shared>> -> memref<10240x32xf32, #tpu.memory_space<vmem_shared>>
        tpu.enqueue_indirect_dma source(%arg13 : memref<128x32xf32, #tpu.memory_space<vmem>>) target(%dma_start3A_89 : memref<10240x32xf32, #tpu.memory_space<vmem_shared>>) offsets(%dma_start3A_86 : memref<128xi32, #tpu.memory_space<vmem>>) semaphore(%run_scoped3A : memref<!tpu.dma_semaphore, #tpu.memory_space<semaphore_mem>>) {add = true}
        %dma_wait3A_90 = arith.constant 0 : i32
        %dma_wait3A_91 = tpu.memref_slice %arg11[%mul3A_58, %dma_wait3A_90] : memref<80x128xi32, #tpu.memory_space<vmem>> -> memref<1x128xi32, #tpu.memory_space<vmem>>
        %dma_wait3A_92 = tpu.memref_squeeze %dma_wait3A_91 : memref<1x128xi32, #tpu.memory_space<vmem>> -> memref<128xi32, #tpu.memory_space<vmem>>
        %dma_wait3A_93 = arith.constant 0 : i32
        %dma_wait3A_94 = arith.constant 0 : i32
        %dma_wait3A_95 = tpu.memref_slice %arg19[%dma_wait3A_93, %dma_wait3A_94] : memref<10240x32xf32, #tpu.memory_space<vmem_shared>> -> memref<10240x32xf32, #tpu.memory_space<vmem_shared>>
        tpu.wait_indirect_dma semaphore(%run_scoped3A : memref<!tpu.dma_semaphore, #tpu.memory_space<semaphore_mem>>) src(%arg13 : memref<128x32xf32, #tpu.memory_space<vmem>>) dst(%dma_wait3A_95 : memref<10240x32xf32, #tpu.memory_space<vmem_shared>>)
        tpu.yield
      }) : () -> ()
      %lt3A = arith.constant 80 : i32
      %lt3A_74 = arith.cmpi slt, %add3A_62, %lt3A : i32
      %convert_element_type3A_75 = arith.extui %lt3A_74 : i1 to i32
      %cond3A_76 = arith.constant 0 : i32
      %cond3A_77 = arith.cmpi ne, %convert_element_type3A_75, %cond3A_76 : i32
      scf.if %cond3A_77 {
        %dma_start3A_84 = arith.constant 0 : i32
        %dma_start3A_85 = tpu.memref_slice %arg10[%add3A_62, %dma_start3A_84] : memref<80x128xi32, #tpu.memory_space<vmem>> -> memref<1x128xi32, #tpu.memory_space<vmem>>
        %dma_start3A_86 = tpu.memref_squeeze %dma_start3A_85 : memref<1x128xi32, #tpu.memory_space<vmem>> -> memref<128xi32, #tpu.memory_space<vmem>>
        %dma_start3A_87 = arith.constant 0 : i32
        %dma_start3A_88 = arith.constant 0 : i32
        %dma_start3A_89 = tpu.memref_slice %arg18[%dma_start3A_87, %dma_start3A_88] : memref<10240x32xf32, #tpu.memory_space<vmem_shared>> -> memref<10240x32xf32, #tpu.memory_space<vmem_shared>>
        tpu.enqueue_indirect_dma source(%dma_start3A_89 : memref<10240x32xf32, #tpu.memory_space<vmem_shared>>) target(%arg13 : memref<128x32xf32, #tpu.memory_space<vmem>>) offsets(%dma_start3A_86 : memref<128xi32, #tpu.memory_space<vmem>>) semaphore(%arg21 : memref<!tpu.dma_semaphore, #tpu.memory_space<semaphore_mem>>)
      } else {
      }
      %dma_wait3A_78 = arith.constant 0 : i32
      %dma_wait3A_79 = tpu.memref_slice %arg10[%add3A_60, %dma_wait3A_78] : memref<80x128xi32, #tpu.memory_space<vmem>> -> memref<1x128xi32, #tpu.memory_space<vmem>>
      %dma_wait3A_80 = tpu.memref_squeeze %dma_wait3A_79 : memref<1x128xi32, #tpu.memory_space<vmem>> -> memref<128xi32, #tpu.memory_space<vmem>>
      %dma_wait3A_81 = arith.constant 0 : i32
      %dma_wait3A_82 = arith.constant 0 : i32
      %dma_wait3A_83 = tpu.memref_slice %arg18[%dma_wait3A_81, %dma_wait3A_82] : memref<10240x32xf32, #tpu.memory_space<vmem_shared>> -> memref<10240x32xf32, #tpu.memory_space<vmem_shared>>
      tpu.wait_indirect_dma semaphore(%arg22 : memref<!tpu.dma_semaphore, #tpu.memory_space<semaphore_mem>>) src(%dma_wait3A_83 : memref<10240x32xf32, #tpu.memory_space<vmem_shared>>) dst(%arg14 : memref<128x32xf32, #tpu.memory_space<vmem>>)
      "tpu.region"() ({
        %run_scoped3A = tpu.sem_alloc : memref<!tpu.dma_semaphore, #tpu.memory_space<semaphore_mem>>
        %dma_start3A_84 = arith.constant 0 : i32
        %dma_start3A_85 = tpu.memref_slice %arg11[%add3A_60, %dma_start3A_84] : memref<80x128xi32, #tpu.memory_space<vmem>> -> memref<1x128xi32, #tpu.memory_space<vmem>>
        %dma_start3A_86 = tpu.memref_squeeze %dma_start3A_85 : memref<1x128xi32, #tpu.memory_space<vmem>> -> memref<128xi32, #tpu.memory_space<vmem>>
        %dma_start3A_87 = arith.constant 0 : i32
        %dma_start3A_88 = arith.constant 0 : i32
        %dma_start3A_89 = tpu.memref_slice %arg19[%dma_start3A_87, %dma_start3A_88] : memref<10240x32xf32, #tpu.memory_space<vmem_shared>> -> memref<10240x32xf32, #tpu.memory_space<vmem_shared>>
        tpu.enqueue_indirect_dma source(%arg14 : memref<128x32xf32, #tpu.memory_space<vmem>>) target(%dma_start3A_89 : memref<10240x32xf32, #tpu.memory_space<vmem_shared>>) offsets(%dma_start3A_86 : memref<128xi32, #tpu.memory_space<vmem>>) semaphore(%run_scoped3A : memref<!tpu.dma_semaphore, #tpu.memory_space<semaphore_mem>>) {add = true}
        %dma_wait3A_90 = arith.constant 0 : i32
        %dma_wait3A_91 = tpu.memref_slice %arg11[%add3A_60, %dma_wait3A_90] : memref<80x128xi32, #tpu.memory_space<vmem>> -> memref<1x128xi32, #tpu.memory_space<vmem>>
        %dma_wait3A_92 = tpu.memref_squeeze %dma_wait3A_91 : memref<1x128xi32, #tpu.memory_space<vmem>> -> memref<128xi32, #tpu.memory_space<vmem>>
        %dma_wait3A_93 = arith.constant 0 : i32
        %dma_wait3A_94 = arith.constant 0 : i32
        %dma_wait3A_95 = tpu.memref_slice %arg19[%dma_wait3A_93, %dma_wait3A_94] : memref<10240x32xf32, #tpu.memory_space<vmem_shared>> -> memref<10240x32xf32, #tpu.memory_space<vmem_shared>>
        tpu.wait_indirect_dma semaphore(%run_scoped3A : memref<!tpu.dma_semaphore, #tpu.memory_space<semaphore_mem>>) src(%arg14 : memref<128x32xf32, #tpu.memory_space<vmem>>) dst(%dma_wait3A_95 : memref<10240x32xf32, #tpu.memory_space<vmem_shared>>)
        tpu.yield
      }) : () -> ()
    }
    %scan3A_39 = arith.constant 40 : i32
    %barrier3A_40 = arith.constant 0 : index
    tpu.barrier barrier_id(%barrier3A_40)
    "tpu.region"() ({
      %run_scoped3A = tpu.sem_alloc : memref<!tpu.dma_semaphore, #tpu.memory_space<semaphore_mem>>
      %dma_start3A_56 = arith.constant 0 : i32
      %dma_start3A_57 = tpu.memref_slice %arg8[%arg0, %mul3A_2, %dma_start3A_56] : memref<2x10240x64xf32, #tpu.memory_space<hbm>> -> memref<1x640x32xf32, #tpu.memory_space<hbm>>
      %dma_start3A_58 = tpu.memref_squeeze %dma_start3A_57 : memref<1x640x32xf32, #tpu.memory_space<hbm>> -> memref<640x32xf32, #tpu.memory_space<hbm>>
      %dma_start3A_59 = arith.constant 0 : i32
      %dma_start3A_60 = tpu.memref_slice %arg19[%mul3A_2, %dma_start3A_59] : memref<10240x32xf32, #tpu.memory_space<vmem_shared>> -> memref<640x32xf32, #tpu.memory_space<vmem_shared>>
      tpu.enqueue_dma source(%dma_start3A_60 : memref<640x32xf32, #tpu.memory_space<vmem_shared>>) target(%dma_start3A_58 : memref<640x32xf32, #tpu.memory_space<hbm>>) target_semaphore(%run_scoped3A : memref<!tpu.dma_semaphore, #tpu.memory_space<semaphore_mem>>)
      %dma_wait3A = arith.constant 0 : i32
      %dma_wait3A_61 = tpu.memref_slice %arg8[%arg0, %mul3A_2, %dma_wait3A] : memref<2x10240x64xf32, #tpu.memory_space<hbm>> -> memref<1x640x32xf32, #tpu.memory_space<hbm>>
      %dma_wait3A_62 = tpu.memref_squeeze %dma_wait3A_61 : memref<1x640x32xf32, #tpu.memory_space<hbm>> -> memref<640x32xf32, #tpu.memory_space<hbm>>
      %dma_wait3A_63 = arith.constant 0 : i32
      %dma_wait3A_64 = tpu.memref_slice %arg19[%mul3A_2, %dma_wait3A_63] : memref<10240x32xf32, #tpu.memory_space<vmem_shared>> -> memref<640x32xf32, #tpu.memory_space<vmem_shared>>
      tpu.wait_dma2 semaphore(%run_scoped3A : memref<!tpu.dma_semaphore, #tpu.memory_space<semaphore_mem>>) src(%dma_wait3A_64 : memref<640x32xf32, #tpu.memory_space<vmem_shared>>) dst(%dma_wait3A_62 : memref<640x32xf32, #tpu.memory_space<hbm>>)
      tpu.yield
    }) : () -> ()
    "tpu.region"() ({
      %run_scoped3A = tpu.sem_alloc : memref<!tpu.dma_semaphore, #tpu.memory_space<semaphore_mem>>
      %dma_start3A_56 = arith.constant 0 : i32
      %dma_start3A_57 = arith.constant 32 : i32
      %dma_start3A_58 = tpu.memref_slice %arg15[%dma_start3A_56, %dma_start3A_57] : memref<640x64xf32, #tpu.memory_space<vmem>> -> memref<640x32xf32, #tpu.memory_space<vmem>>
      %dma_start3A_59 = arith.constant 0 : i32
      %dma_start3A_60 = tpu.memref_slice %arg18[%mul3A_2, %dma_start3A_59] : memref<10240x32xf32, #tpu.memory_space<vmem_shared>> -> memref<640x32xf32, #tpu.memory_space<vmem_shared>>
      %dma_start3A_61 = arith.constant 0 : i32
      %dma_start3A_62 = tpu.memref_slice %arg18[%mul3A_2, %dma_start3A_61] : memref<10240x32xf32, #tpu.memory_space<vmem_shared>> -> memref<640x32xf32, #tpu.memory_space<vmem_shared>>
      %dma_start3A_63 = arith.constant 0 : i32
      %dma_start3A_64 = arith.constant 32 : i32
      %dma_start3A_65 = tpu.memref_slice %arg15[%dma_start3A_63, %dma_start3A_64] : memref<640x64xf32, #tpu.memory_space<vmem>> -> memref<640x32xf32, #tpu.memory_space<vmem>>
      tpu.enqueue_dma source(%dma_start3A_65 : memref<640x32xf32, #tpu.memory_space<vmem>>) target(%dma_start3A_62 : memref<640x32xf32, #tpu.memory_space<vmem_shared>>) target_semaphore(%run_scoped3A : memref<!tpu.dma_semaphore, #tpu.memory_space<semaphore_mem>>)
      %dma_wait3A = arith.constant 0 : i32
      %dma_wait3A_66 = arith.constant 32 : i32
      %dma_wait3A_67 = tpu.memref_slice %arg15[%dma_wait3A, %dma_wait3A_66] : memref<640x64xf32, #tpu.memory_space<vmem>> -> memref<640x32xf32, #tpu.memory_space<vmem>>
      %dma_wait3A_68 = arith.constant 0 : i32
      %dma_wait3A_69 = tpu.memref_slice %arg18[%mul3A_2, %dma_wait3A_68] : memref<10240x32xf32, #tpu.memory_space<vmem_shared>> -> memref<640x32xf32, #tpu.memory_space<vmem_shared>>
      %dma_wait3A_70 = arith.constant 0 : i32
      %dma_wait3A_71 = tpu.memref_slice %arg18[%mul3A_2, %dma_wait3A_70] : memref<10240x32xf32, #tpu.memory_space<vmem_shared>> -> memref<640x32xf32, #tpu.memory_space<vmem_shared>>
      %dma_wait3A_72 = arith.constant 0 : i32
      %dma_wait3A_73 = arith.constant 32 : i32
      %dma_wait3A_74 = tpu.memref_slice %arg15[%dma_wait3A_72, %dma_wait3A_73] : memref<640x64xf32, #tpu.memory_space<vmem>> -> memref<640x32xf32, #tpu.memory_space<vmem>>
      tpu.wait_dma2 semaphore(%run_scoped3A : memref<!tpu.dma_semaphore, #tpu.memory_space<semaphore_mem>>) src(%dma_wait3A_74 : memref<640x32xf32, #tpu.memory_space<vmem>>) dst(%dma_wait3A_71 : memref<640x32xf32, #tpu.memory_space<vmem_shared>>)
      tpu.yield
    }) : () -> ()
    "tpu.region"() ({
      %run_scoped3A = tpu.sem_alloc : memref<!tpu.dma_semaphore, #tpu.memory_space<semaphore_mem>>
      %dma_start3A_56 = arith.constant 0 : i32
      %dma_start3A_57 = tpu.memref_slice %arg19[%mul3A_2, %dma_start3A_56] : memref<10240x32xf32, #tpu.memory_space<vmem_shared>> -> memref<640x32xf32, #tpu.memory_space<vmem_shared>>
      %dma_start3A_58 = arith.constant 0 : i32
      %dma_start3A_59 = tpu.memref_slice %arg5[%mul3A_2, %dma_start3A_58] : memref<10240x32xf32, #tpu.memory_space<hbm>> -> memref<640x32xf32, #tpu.memory_space<hbm>>
      tpu.enqueue_dma source(%dma_start3A_59 : memref<640x32xf32, #tpu.memory_space<hbm>>) target(%dma_start3A_57 : memref<640x32xf32, #tpu.memory_space<vmem_shared>>) target_semaphore(%run_scoped3A : memref<!tpu.dma_semaphore, #tpu.memory_space<semaphore_mem>>)
      %dma_wait3A = arith.constant 0 : i32
      %dma_wait3A_60 = tpu.memref_slice %arg19[%mul3A_2, %dma_wait3A] : memref<10240x32xf32, #tpu.memory_space<vmem_shared>> -> memref<640x32xf32, #tpu.memory_space<vmem_shared>>
      %dma_wait3A_61 = arith.constant 0 : i32
      %dma_wait3A_62 = tpu.memref_slice %arg5[%mul3A_2, %dma_wait3A_61] : memref<10240x32xf32, #tpu.memory_space<hbm>> -> memref<640x32xf32, #tpu.memory_space<hbm>>
      tpu.wait_dma2 semaphore(%run_scoped3A : memref<!tpu.dma_semaphore, #tpu.memory_space<semaphore_mem>>) src(%dma_wait3A_62 : memref<640x32xf32, #tpu.memory_space<hbm>>) dst(%dma_wait3A_60 : memref<640x32xf32, #tpu.memory_space<vmem_shared>>)
      tpu.yield
    }) : () -> ()
    %barrier3A_41 = arith.constant 0 : index
    tpu.barrier barrier_id(%barrier3A_41)
    %dma_start3A_42 = arith.constant 0 : i32
    %dma_start3A_43 = arith.constant 0 : i32
    %dma_start3A_44 = tpu.memref_slice %arg10[%dma_start3A_42, %dma_start3A_43] : memref<80x128xi32, #tpu.memory_space<vmem>> -> memref<1x128xi32, #tpu.memory_space<vmem>>
    %dma_start3A_45 = tpu.memref_squeeze %dma_start3A_44 : memref<1x128xi32, #tpu.memory_space<vmem>> -> memref<128xi32, #tpu.memory_space<vmem>>
    %dma_start3A_46 = arith.constant 0 : i32
    %dma_start3A_47 = arith.constant 0 : i32
    %dma_start3A_48 = tpu.memref_slice %arg18[%dma_start3A_46, %dma_start3A_47] : memref<10240x32xf32, #tpu.memory_space<vmem_shared>> -> memref<10240x32xf32, #tpu.memory_space<vmem_shared>>
    tpu.enqueue_indirect_dma source(%dma_start3A_48 : memref<10240x32xf32, #tpu.memory_space<vmem_shared>>) target(%arg13 : memref<128x32xf32, #tpu.memory_space<vmem>>) offsets(%dma_start3A_45 : memref<128xi32, #tpu.memory_space<vmem>>) semaphore(%arg21 : memref<!tpu.dma_semaphore, #tpu.memory_space<semaphore_mem>>)
    %scan3A_49 = arith.constant 0 : i32
    %scan3A_50 = arith.constant 0 : i32
    %scan3A_51 = arith.constant 40 : i32
    %scan3A_52 = arith.addi %scan3A_50, %scan3A_51 : i32
    %scan3A_53 = arith.constant 1 : i32
    scf.for %scan3A_56 = %scan3A_50 to %scan3A_52 step %scan3A_53  : i32 {
      %mul3A_57 = arith.constant 2 : i32
      %mul3A_58 = arith.muli %mul3A_57, %scan3A_56 : i32
      %add3A_59 = arith.constant 1 : i32
      %add3A_60 = arith.addi %mul3A_58, %add3A_59 : i32
      %add3A_61 = arith.constant 2 : i32
      %add3A_62 = arith.addi %mul3A_58, %add3A_61 : i32
      %dma_start3A_63 = arith.constant 0 : i32
      %dma_start3A_64 = tpu.memref_slice %arg10[%add3A_60, %dma_start3A_63] : memref<80x128xi32, #tpu.memory_space<vmem>> -> memref<1x128xi32, #tpu.memory_space<vmem>>
      %dma_start3A_65 = tpu.memref_squeeze %dma_start3A_64 : memref<1x128xi32, #tpu.memory_space<vmem>> -> memref<128xi32, #tpu.memory_space<vmem>>
      %dma_start3A_66 = arith.constant 0 : i32
      %dma_start3A_67 = arith.constant 0 : i32
      %dma_start3A_68 = tpu.memref_slice %arg18[%dma_start3A_66, %dma_start3A_67] : memref<10240x32xf32, #tpu.memory_space<vmem_shared>> -> memref<10240x32xf32, #tpu.memory_space<vmem_shared>>
      tpu.enqueue_indirect_dma source(%dma_start3A_68 : memref<10240x32xf32, #tpu.memory_space<vmem_shared>>) target(%arg14 : memref<128x32xf32, #tpu.memory_space<vmem>>) offsets(%dma_start3A_65 : memref<128xi32, #tpu.memory_space<vmem>>) semaphore(%arg22 : memref<!tpu.dma_semaphore, #tpu.memory_space<semaphore_mem>>)
      %dma_wait3A = arith.constant 0 : i32
      %dma_wait3A_69 = tpu.memref_slice %arg10[%mul3A_58, %dma_wait3A] : memref<80x128xi32, #tpu.memory_space<vmem>> -> memref<1x128xi32, #tpu.memory_space<vmem>>
      %dma_wait3A_70 = tpu.memref_squeeze %dma_wait3A_69 : memref<1x128xi32, #tpu.memory_space<vmem>> -> memref<128xi32, #tpu.memory_space<vmem>>
      %dma_wait3A_71 = arith.constant 0 : i32
      %dma_wait3A_72 = arith.constant 0 : i32
      %dma_wait3A_73 = tpu.memref_slice %arg18[%dma_wait3A_71, %dma_wait3A_72] : memref<10240x32xf32, #tpu.memory_space<vmem_shared>> -> memref<10240x32xf32, #tpu.memory_space<vmem_shared>>
      tpu.wait_indirect_dma semaphore(%arg21 : memref<!tpu.dma_semaphore, #tpu.memory_space<semaphore_mem>>) src(%dma_wait3A_73 : memref<10240x32xf32, #tpu.memory_space<vmem_shared>>) dst(%arg13 : memref<128x32xf32, #tpu.memory_space<vmem>>)
      "tpu.region"() ({
        %run_scoped3A = tpu.sem_alloc : memref<!tpu.dma_semaphore, #tpu.memory_space<semaphore_mem>>
        %dma_start3A_84 = arith.constant 0 : i32
        %dma_start3A_85 = tpu.memref_slice %arg11[%mul3A_58, %dma_start3A_84] : memref<80x128xi32, #tpu.memory_space<vmem>> -> memref<1x128xi32, #tpu.memory_space<vmem>>
        %dma_start3A_86 = tpu.memref_squeeze %dma_start3A_85 : memref<1x128xi32, #tpu.memory_space<vmem>> -> memref<128xi32, #tpu.memory_space<vmem>>
        %dma_start3A_87 = arith.constant 0 : i32
        %dma_start3A_88 = arith.constant 0 : i32
        %dma_start3A_89 = tpu.memref_slice %arg19[%dma_start3A_87, %dma_start3A_88] : memref<10240x32xf32, #tpu.memory_space<vmem_shared>> -> memref<10240x32xf32, #tpu.memory_space<vmem_shared>>
        tpu.enqueue_indirect_dma source(%arg13 : memref<128x32xf32, #tpu.memory_space<vmem>>) target(%dma_start3A_89 : memref<10240x32xf32, #tpu.memory_space<vmem_shared>>) offsets(%dma_start3A_86 : memref<128xi32, #tpu.memory_space<vmem>>) semaphore(%run_scoped3A : memref<!tpu.dma_semaphore, #tpu.memory_space<semaphore_mem>>) {add = true}
        %dma_wait3A_90 = arith.constant 0 : i32
        %dma_wait3A_91 = tpu.memref_slice %arg11[%mul3A_58, %dma_wait3A_90] : memref<80x128xi32, #tpu.memory_space<vmem>> -> memref<1x128xi32, #tpu.memory_space<vmem>>
        %dma_wait3A_92 = tpu.memref_squeeze %dma_wait3A_91 : memref<1x128xi32, #tpu.memory_space<vmem>> -> memref<128xi32, #tpu.memory_space<vmem>>
        %dma_wait3A_93 = arith.constant 0 : i32
        %dma_wait3A_94 = arith.constant 0 : i32
        %dma_wait3A_95 = tpu.memref_slice %arg19[%dma_wait3A_93, %dma_wait3A_94] : memref<10240x32xf32, #tpu.memory_space<vmem_shared>> -> memref<10240x32xf32, #tpu.memory_space<vmem_shared>>
        tpu.wait_indirect_dma semaphore(%run_scoped3A : memref<!tpu.dma_semaphore, #tpu.memory_space<semaphore_mem>>) src(%arg13 : memref<128x32xf32, #tpu.memory_space<vmem>>) dst(%dma_wait3A_95 : memref<10240x32xf32, #tpu.memory_space<vmem_shared>>)
        tpu.yield
      }) : () -> ()
      %lt3A = arith.constant 80 : i32
      %lt3A_74 = arith.cmpi slt, %add3A_62, %lt3A : i32
      %convert_element_type3A_75 = arith.extui %lt3A_74 : i1 to i32
      %cond3A_76 = arith.constant 0 : i32
      %cond3A_77 = arith.cmpi ne, %convert_element_type3A_75, %cond3A_76 : i32
      scf.if %cond3A_77 {
        %dma_start3A_84 = arith.constant 0 : i32
        %dma_start3A_85 = tpu.memref_slice %arg10[%add3A_62, %dma_start3A_84] : memref<80x128xi32, #tpu.memory_space<vmem>> -> memref<1x128xi32, #tpu.memory_space<vmem>>
        %dma_start3A_86 = tpu.memref_squeeze %dma_start3A_85 : memref<1x128xi32, #tpu.memory_space<vmem>> -> memref<128xi32, #tpu.memory_space<vmem>>
        %dma_start3A_87 = arith.constant 0 : i32
        %dma_start3A_88 = arith.constant 0 : i32
        %dma_start3A_89 = tpu.memref_slice %arg18[%dma_start3A_87, %dma_start3A_88] : memref<10240x32xf32, #tpu.memory_space<vmem_shared>> -> memref<10240x32xf32, #tpu.memory_space<vmem_shared>>
        tpu.enqueue_indirect_dma source(%dma_start3A_89 : memref<10240x32xf32, #tpu.memory_space<vmem_shared>>) target(%arg13 : memref<128x32xf32, #tpu.memory_space<vmem>>) offsets(%dma_start3A_86 : memref<128xi32, #tpu.memory_space<vmem>>) semaphore(%arg21 : memref<!tpu.dma_semaphore, #tpu.memory_space<semaphore_mem>>)
      } else {
      }
      %dma_wait3A_78 = arith.constant 0 : i32
      %dma_wait3A_79 = tpu.memref_slice %arg10[%add3A_60, %dma_wait3A_78] : memref<80x128xi32, #tpu.memory_space<vmem>> -> memref<1x128xi32, #tpu.memory_space<vmem>>
      %dma_wait3A_80 = tpu.memref_squeeze %dma_wait3A_79 : memref<1x128xi32, #tpu.memory_space<vmem>> -> memref<128xi32, #tpu.memory_space<vmem>>
      %dma_wait3A_81 = arith.constant 0 : i32
      %dma_wait3A_82 = arith.constant 0 : i32
      %dma_wait3A_83 = tpu.memref_slice %arg18[%dma_wait3A_81, %dma_wait3A_82] : memref<10240x32xf32, #tpu.memory_space<vmem_shared>> -> memref<10240x32xf32, #tpu.memory_space<vmem_shared>>
      tpu.wait_indirect_dma semaphore(%arg22 : memref<!tpu.dma_semaphore, #tpu.memory_space<semaphore_mem>>) src(%dma_wait3A_83 : memref<10240x32xf32, #tpu.memory_space<vmem_shared>>) dst(%arg14 : memref<128x32xf32, #tpu.memory_space<vmem>>)
      "tpu.region"() ({
        %run_scoped3A = tpu.sem_alloc : memref<!tpu.dma_semaphore, #tpu.memory_space<semaphore_mem>>
        %dma_start3A_84 = arith.constant 0 : i32
        %dma_start3A_85 = tpu.memref_slice %arg11[%add3A_60, %dma_start3A_84] : memref<80x128xi32, #tpu.memory_space<vmem>> -> memref<1x128xi32, #tpu.memory_space<vmem>>
        %dma_start3A_86 = tpu.memref_squeeze %dma_start3A_85 : memref<1x128xi32, #tpu.memory_space<vmem>> -> memref<128xi32, #tpu.memory_space<vmem>>
        %dma_start3A_87 = arith.constant 0 : i32
        %dma_start3A_88 = arith.constant 0 : i32
        %dma_start3A_89 = tpu.memref_slice %arg19[%dma_start3A_87, %dma_start3A_88] : memref<10240x32xf32, #tpu.memory_space<vmem_shared>> -> memref<10240x32xf32, #tpu.memory_space<vmem_shared>>
        tpu.enqueue_indirect_dma source(%arg14 : memref<128x32xf32, #tpu.memory_space<vmem>>) target(%dma_start3A_89 : memref<10240x32xf32, #tpu.memory_space<vmem_shared>>) offsets(%dma_start3A_86 : memref<128xi32, #tpu.memory_space<vmem>>) semaphore(%run_scoped3A : memref<!tpu.dma_semaphore, #tpu.memory_space<semaphore_mem>>) {add = true}
        %dma_wait3A_90 = arith.constant 0 : i32
        %dma_wait3A_91 = tpu.memref_slice %arg11[%add3A_60, %dma_wait3A_90] : memref<80x128xi32, #tpu.memory_space<vmem>> -> memref<1x128xi32, #tpu.memory_space<vmem>>
        %dma_wait3A_92 = tpu.memref_squeeze %dma_wait3A_91 : memref<1x128xi32, #tpu.memory_space<vmem>> -> memref<128xi32, #tpu.memory_space<vmem>>
        %dma_wait3A_93 = arith.constant 0 : i32
        %dma_wait3A_94 = arith.constant 0 : i32
        %dma_wait3A_95 = tpu.memref_slice %arg19[%dma_wait3A_93, %dma_wait3A_94] : memref<10240x32xf32, #tpu.memory_space<vmem_shared>> -> memref<10240x32xf32, #tpu.memory_space<vmem_shared>>
        tpu.wait_indirect_dma semaphore(%run_scoped3A : memref<!tpu.dma_semaphore, #tpu.memory_space<semaphore_mem>>) src(%arg14 : memref<128x32xf32, #tpu.memory_space<vmem>>) dst(%dma_wait3A_95 : memref<10240x32xf32, #tpu.memory_space<vmem_shared>>)
        tpu.yield
      }) : () -> ()
    }
    %scan3A_54 = arith.constant 40 : i32
    %barrier3A_55 = arith.constant 0 : index
    tpu.barrier barrier_id(%barrier3A_55)
    "tpu.region"() ({
      %run_scoped3A = tpu.sem_alloc : memref<!tpu.dma_semaphore, #tpu.memory_space<semaphore_mem>>
      %dma_start3A_56 = arith.constant 32 : i32
      %dma_start3A_57 = tpu.memref_slice %arg8[%arg0, %mul3A_2, %dma_start3A_56] : memref<2x10240x64xf32, #tpu.memory_space<hbm>> -> memref<1x640x32xf32, #tpu.memory_space<hbm>>
      %dma_start3A_58 = tpu.memref_squeeze %dma_start3A_57 : memref<1x640x32xf32, #tpu.memory_space<hbm>> -> memref<640x32xf32, #tpu.memory_space<hbm>>
      %dma_start3A_59 = arith.constant 0 : i32
      %dma_start3A_60 = tpu.memref_slice %arg19[%mul3A_2, %dma_start3A_59] : memref<10240x32xf32, #tpu.memory_space<vmem_shared>> -> memref<640x32xf32, #tpu.memory_space<vmem_shared>>
      tpu.enqueue_dma source(%dma_start3A_60 : memref<640x32xf32, #tpu.memory_space<vmem_shared>>) target(%dma_start3A_58 : memref<640x32xf32, #tpu.memory_space<hbm>>) target_semaphore(%run_scoped3A : memref<!tpu.dma_semaphore, #tpu.memory_space<semaphore_mem>>)
      %dma_wait3A = arith.constant 32 : i32
      %dma_wait3A_61 = tpu.memref_slice %arg8[%arg0, %mul3A_2, %dma_wait3A] : memref<2x10240x64xf32, #tpu.memory_space<hbm>> -> memref<1x640x32xf32, #tpu.memory_space<hbm>>
      %dma_wait3A_62 = tpu.memref_squeeze %dma_wait3A_61 : memref<1x640x32xf32, #tpu.memory_space<hbm>> -> memref<640x32xf32, #tpu.memory_space<hbm>>
      %dma_wait3A_63 = arith.constant 0 : i32
      %dma_wait3A_64 = tpu.memref_slice %arg19[%mul3A_2, %dma_wait3A_63] : memref<10240x32xf32, #tpu.memory_space<vmem_shared>> -> memref<640x32xf32, #tpu.memory_space<vmem_shared>>
      tpu.wait_dma2 semaphore(%run_scoped3A : memref<!tpu.dma_semaphore, #tpu.memory_space<semaphore_mem>>) src(%dma_wait3A_64 : memref<640x32xf32, #tpu.memory_space<vmem_shared>>) dst(%dma_wait3A_62 : memref<640x32xf32, #tpu.memory_space<hbm>>)
      tpu.yield
    }) : () -> ()
    return
  }
}

#map = affine_map<(d0, d1) -> (0, 0)>
#map1 = affine_map<(d0, d1) -> (0, 0, 0)>
module attributes {stable_mosaic.version = 14 : i64} {
  func.func @_sc_edge_sum(%arg0: i32, %arg1: i32, %arg2: memref<10240x64xf32, #tpu.memory_space<hbm>>, %arg3: memref<32x80x128xi32, #tpu.memory_space<hbm>>, %arg4: memref<32x80x128xi32, #tpu.memory_space<hbm>>, %arg5: memref<10240x64xf32, #tpu.memory_space<hbm>>, %arg6: memref<2x10240x64xf32, #tpu.memory_space<hbm>>, %arg7: memref<80x128xi32, #tpu.memory_space<vmem>>, %arg8: memref<80x128xi32, #tpu.memory_space<vmem>>, %arg9: memref<128x64xf32, #tpu.memory_space<vmem>>, %arg10: memref<128x64xf32, #tpu.memory_space<vmem>>, %arg11: memref<10240x64xf32, #tpu.memory_space<vmem_shared>>, %arg12: memref<!tpu.dma_semaphore, #tpu.memory_space<semaphore_mem>>, %arg13: memref<!tpu.dma_semaphore, #tpu.memory_space<semaphore_mem>>) attributes {dimension_semantics = [#tpu.dimension_semantics<core_parallel>, #tpu.dimension_semantics<subcore_parallel>], iteration_bounds = array<i64: 2, 16>, scalar_prefetch = 0 : i64, scratch_operands = 7 : i64, tpu.core_type = #tpu.core_type<sc_vector_subcore>, window_params = [{transform_indices = #map}, {transform_indices = #map1}, {transform_indices = #map1}, {transform_indices = #map}, {transform_indices = #map1}]} {
    %mul3A = arith.constant 2 : i32
    %mul3A_0 = arith.muli %arg1, %mul3A : i32
    %add3A = arith.addi %mul3A_0, %arg0 : i32
    %mul3A_1 = arith.constant 640 : i32
    %mul3A_2 = arith.muli %arg1, %mul3A_1 : i32
    %mul3A_3 = arith.constant 640 : i32
    %mul3A_4 = arith.muli %arg1, %mul3A_3 : i32
    "tpu.region"() ({
      %run_scoped3A = tpu.sem_alloc : memref<!tpu.dma_semaphore, #tpu.memory_space<semaphore_mem>>
      %dma_start3A_21 = arith.constant 0 : i32
      %dma_start3A_22 = tpu.memref_slice %arg11[%mul3A_4, %dma_start3A_21] : memref<10240x64xf32, #tpu.memory_space<vmem_shared>> -> memref<640x64xf32, #tpu.memory_space<vmem_shared>>
      %dma_start3A_23 = arith.constant 0 : i32
      %dma_start3A_24 = tpu.memref_slice %arg5[%mul3A_2, %dma_start3A_23] : memref<10240x64xf32, #tpu.memory_space<hbm>> -> memref<640x64xf32, #tpu.memory_space<hbm>>
      tpu.enqueue_dma source(%dma_start3A_24 : memref<640x64xf32, #tpu.memory_space<hbm>>) target(%dma_start3A_22 : memref<640x64xf32, #tpu.memory_space<vmem_shared>>) target_semaphore(%run_scoped3A : memref<!tpu.dma_semaphore, #tpu.memory_space<semaphore_mem>>)
      %dma_wait3A = arith.constant 0 : i32
      %dma_wait3A_25 = tpu.memref_slice %arg11[%mul3A_4, %dma_wait3A] : memref<10240x64xf32, #tpu.memory_space<vmem_shared>> -> memref<640x64xf32, #tpu.memory_space<vmem_shared>>
      %dma_wait3A_26 = arith.constant 0 : i32
      %dma_wait3A_27 = tpu.memref_slice %arg5[%mul3A_2, %dma_wait3A_26] : memref<10240x64xf32, #tpu.memory_space<hbm>> -> memref<640x64xf32, #tpu.memory_space<hbm>>
      tpu.wait_dma2 semaphore(%run_scoped3A : memref<!tpu.dma_semaphore, #tpu.memory_space<semaphore_mem>>) src(%dma_wait3A_27 : memref<640x64xf32, #tpu.memory_space<hbm>>) dst(%dma_wait3A_25 : memref<640x64xf32, #tpu.memory_space<vmem_shared>>)
      tpu.yield
    }) : () -> ()
    "tpu.region"() ({
      %run_scoped3A = tpu.sem_alloc : memref<!tpu.dma_semaphore, #tpu.memory_space<semaphore_mem>>
      %dma_start3A_21 = arith.constant 0 : i32
      %dma_start3A_22 = arith.constant 0 : i32
      %dma_start3A_23 = tpu.memref_slice %arg3[%add3A, %dma_start3A_21, %dma_start3A_22] : memref<32x80x128xi32, #tpu.memory_space<hbm>> -> memref<1x80x128xi32, #tpu.memory_space<hbm>>
      %dma_start3A_24 = tpu.memref_squeeze %dma_start3A_23 : memref<1x80x128xi32, #tpu.memory_space<hbm>> -> memref<80x128xi32, #tpu.memory_space<hbm>>
      %dma_start3A_25 = arith.constant 0 : i32
      %dma_start3A_26 = arith.constant 0 : i32
      %dma_start3A_27 = tpu.memref_slice %arg3[%add3A, %dma_start3A_25, %dma_start3A_26] : memref<32x80x128xi32, #tpu.memory_space<hbm>> -> memref<1x80x128xi32, #tpu.memory_space<hbm>>
      %dma_start3A_28 = tpu.memref_squeeze %dma_start3A_27 : memref<1x80x128xi32, #tpu.memory_space<hbm>> -> memref<80x128xi32, #tpu.memory_space<hbm>>
      tpu.enqueue_dma source(%dma_start3A_28 : memref<80x128xi32, #tpu.memory_space<hbm>>) target(%arg7 : memref<80x128xi32, #tpu.memory_space<vmem>>) target_semaphore(%run_scoped3A : memref<!tpu.dma_semaphore, #tpu.memory_space<semaphore_mem>>)
      %dma_wait3A = arith.constant 0 : i32
      %dma_wait3A_29 = arith.constant 0 : i32
      %dma_wait3A_30 = tpu.memref_slice %arg3[%add3A, %dma_wait3A, %dma_wait3A_29] : memref<32x80x128xi32, #tpu.memory_space<hbm>> -> memref<1x80x128xi32, #tpu.memory_space<hbm>>
      %dma_wait3A_31 = tpu.memref_squeeze %dma_wait3A_30 : memref<1x80x128xi32, #tpu.memory_space<hbm>> -> memref<80x128xi32, #tpu.memory_space<hbm>>
      %dma_wait3A_32 = arith.constant 0 : i32
      %dma_wait3A_33 = arith.constant 0 : i32
      %dma_wait3A_34 = tpu.memref_slice %arg3[%add3A, %dma_wait3A_32, %dma_wait3A_33] : memref<32x80x128xi32, #tpu.memory_space<hbm>> -> memref<1x80x128xi32, #tpu.memory_space<hbm>>
      %dma_wait3A_35 = tpu.memref_squeeze %dma_wait3A_34 : memref<1x80x128xi32, #tpu.memory_space<hbm>> -> memref<80x128xi32, #tpu.memory_space<hbm>>
      tpu.wait_dma2 semaphore(%run_scoped3A : memref<!tpu.dma_semaphore, #tpu.memory_space<semaphore_mem>>) src(%dma_wait3A_35 : memref<80x128xi32, #tpu.memory_space<hbm>>) dst(%arg7 : memref<80x128xi32, #tpu.memory_space<vmem>>)
      tpu.yield
    }) : () -> ()
    "tpu.region"() ({
      %run_scoped3A = tpu.sem_alloc : memref<!tpu.dma_semaphore, #tpu.memory_space<semaphore_mem>>
      %dma_start3A_21 = arith.constant 0 : i32
      %dma_start3A_22 = arith.constant 0 : i32
      %dma_start3A_23 = tpu.memref_slice %arg4[%add3A, %dma_start3A_21, %dma_start3A_22] : memref<32x80x128xi32, #tpu.memory_space<hbm>> -> memref<1x80x128xi32, #tpu.memory_space<hbm>>
      %dma_start3A_24 = tpu.memref_squeeze %dma_start3A_23 : memref<1x80x128xi32, #tpu.memory_space<hbm>> -> memref<80x128xi32, #tpu.memory_space<hbm>>
      %dma_start3A_25 = arith.constant 0 : i32
      %dma_start3A_26 = arith.constant 0 : i32
      %dma_start3A_27 = tpu.memref_slice %arg4[%add3A, %dma_start3A_25, %dma_start3A_26] : memref<32x80x128xi32, #tpu.memory_space<hbm>> -> memref<1x80x128xi32, #tpu.memory_space<hbm>>
      %dma_start3A_28 = tpu.memref_squeeze %dma_start3A_27 : memref<1x80x128xi32, #tpu.memory_space<hbm>> -> memref<80x128xi32, #tpu.memory_space<hbm>>
      tpu.enqueue_dma source(%dma_start3A_28 : memref<80x128xi32, #tpu.memory_space<hbm>>) target(%arg8 : memref<80x128xi32, #tpu.memory_space<vmem>>) target_semaphore(%run_scoped3A : memref<!tpu.dma_semaphore, #tpu.memory_space<semaphore_mem>>)
      %dma_wait3A = arith.constant 0 : i32
      %dma_wait3A_29 = arith.constant 0 : i32
      %dma_wait3A_30 = tpu.memref_slice %arg4[%add3A, %dma_wait3A, %dma_wait3A_29] : memref<32x80x128xi32, #tpu.memory_space<hbm>> -> memref<1x80x128xi32, #tpu.memory_space<hbm>>
      %dma_wait3A_31 = tpu.memref_squeeze %dma_wait3A_30 : memref<1x80x128xi32, #tpu.memory_space<hbm>> -> memref<80x128xi32, #tpu.memory_space<hbm>>
      %dma_wait3A_32 = arith.constant 0 : i32
      %dma_wait3A_33 = arith.constant 0 : i32
      %dma_wait3A_34 = tpu.memref_slice %arg4[%add3A, %dma_wait3A_32, %dma_wait3A_33] : memref<32x80x128xi32, #tpu.memory_space<hbm>> -> memref<1x80x128xi32, #tpu.memory_space<hbm>>
      %dma_wait3A_35 = tpu.memref_squeeze %dma_wait3A_34 : memref<1x80x128xi32, #tpu.memory_space<hbm>> -> memref<80x128xi32, #tpu.memory_space<hbm>>
      tpu.wait_dma2 semaphore(%run_scoped3A : memref<!tpu.dma_semaphore, #tpu.memory_space<semaphore_mem>>) src(%dma_wait3A_35 : memref<80x128xi32, #tpu.memory_space<hbm>>) dst(%arg8 : memref<80x128xi32, #tpu.memory_space<vmem>>)
      tpu.yield
    }) : () -> ()
    %barrier3A = arith.constant 0 : index
    tpu.barrier barrier_id(%barrier3A)
    %dma_start3A = arith.constant 0 : i32
    %dma_start3A_5 = arith.constant 0 : i32
    %dma_start3A_6 = tpu.memref_slice %arg7[%dma_start3A, %dma_start3A_5] : memref<80x128xi32, #tpu.memory_space<vmem>> -> memref<1x128xi32, #tpu.memory_space<vmem>>
    %dma_start3A_7 = tpu.memref_squeeze %dma_start3A_6 : memref<1x128xi32, #tpu.memory_space<vmem>> -> memref<128xi32, #tpu.memory_space<vmem>>
    %dma_start3A_8 = arith.constant 0 : i32
    %dma_start3A_9 = arith.constant 0 : i32
    %dma_start3A_10 = tpu.memref_slice %arg2[%dma_start3A_8, %dma_start3A_9] : memref<10240x64xf32, #tpu.memory_space<hbm>> -> memref<10240x64xf32, #tpu.memory_space<hbm>>
    tpu.enqueue_indirect_dma source(%dma_start3A_10 : memref<10240x64xf32, #tpu.memory_space<hbm>>) target(%arg9 : memref<128x64xf32, #tpu.memory_space<vmem>>) offsets(%dma_start3A_7 : memref<128xi32, #tpu.memory_space<vmem>>) semaphore(%arg12 : memref<!tpu.dma_semaphore, #tpu.memory_space<semaphore_mem>>)
    %scan3A = arith.constant 0 : i32
    %scan3A_11 = arith.constant 0 : i32
    %scan3A_12 = arith.constant 40 : i32
    %scan3A_13 = arith.addi %scan3A_11, %scan3A_12 : i32
    %scan3A_14 = arith.constant 1 : i32
    scf.for %scan3A_21 = %scan3A_11 to %scan3A_13 step %scan3A_14  : i32 {
      %mul3A_22 = arith.constant 2 : i32
      %mul3A_23 = arith.muli %mul3A_22, %scan3A_21 : i32
      %add3A_24 = arith.constant 1 : i32
      %add3A_25 = arith.addi %mul3A_23, %add3A_24 : i32
      %add3A_26 = arith.constant 2 : i32
      %add3A_27 = arith.addi %mul3A_23, %add3A_26 : i32
      %dma_start3A_28 = arith.constant 0 : i32
      %dma_start3A_29 = tpu.memref_slice %arg7[%add3A_25, %dma_start3A_28] : memref<80x128xi32, #tpu.memory_space<vmem>> -> memref<1x128xi32, #tpu.memory_space<vmem>>
      %dma_start3A_30 = tpu.memref_squeeze %dma_start3A_29 : memref<1x128xi32, #tpu.memory_space<vmem>> -> memref<128xi32, #tpu.memory_space<vmem>>
      %dma_start3A_31 = arith.constant 0 : i32
      %dma_start3A_32 = arith.constant 0 : i32
      %dma_start3A_33 = tpu.memref_slice %arg2[%dma_start3A_31, %dma_start3A_32] : memref<10240x64xf32, #tpu.memory_space<hbm>> -> memref<10240x64xf32, #tpu.memory_space<hbm>>
      tpu.enqueue_indirect_dma source(%dma_start3A_33 : memref<10240x64xf32, #tpu.memory_space<hbm>>) target(%arg10 : memref<128x64xf32, #tpu.memory_space<vmem>>) offsets(%dma_start3A_30 : memref<128xi32, #tpu.memory_space<vmem>>) semaphore(%arg13 : memref<!tpu.dma_semaphore, #tpu.memory_space<semaphore_mem>>)
      %dma_wait3A = arith.constant 0 : i32
      %dma_wait3A_34 = tpu.memref_slice %arg7[%mul3A_23, %dma_wait3A] : memref<80x128xi32, #tpu.memory_space<vmem>> -> memref<1x128xi32, #tpu.memory_space<vmem>>
      %dma_wait3A_35 = tpu.memref_squeeze %dma_wait3A_34 : memref<1x128xi32, #tpu.memory_space<vmem>> -> memref<128xi32, #tpu.memory_space<vmem>>
      %dma_wait3A_36 = arith.constant 0 : i32
      %dma_wait3A_37 = arith.constant 0 : i32
      %dma_wait3A_38 = tpu.memref_slice %arg2[%dma_wait3A_36, %dma_wait3A_37] : memref<10240x64xf32, #tpu.memory_space<hbm>> -> memref<10240x64xf32, #tpu.memory_space<hbm>>
      tpu.wait_indirect_dma semaphore(%arg12 : memref<!tpu.dma_semaphore, #tpu.memory_space<semaphore_mem>>) src(%dma_wait3A_38 : memref<10240x64xf32, #tpu.memory_space<hbm>>) dst(%arg9 : memref<128x64xf32, #tpu.memory_space<vmem>>)
      "tpu.region"() ({
        %run_scoped3A = tpu.sem_alloc : memref<!tpu.dma_semaphore, #tpu.memory_space<semaphore_mem>>
        %dma_start3A_47 = arith.constant 0 : i32
        %dma_start3A_48 = tpu.memref_slice %arg8[%mul3A_23, %dma_start3A_47] : memref<80x128xi32, #tpu.memory_space<vmem>> -> memref<1x128xi32, #tpu.memory_space<vmem>>
        %dma_start3A_49 = tpu.memref_squeeze %dma_start3A_48 : memref<1x128xi32, #tpu.memory_space<vmem>> -> memref<128xi32, #tpu.memory_space<vmem>>
        %dma_start3A_50 = arith.constant 0 : i32
        %dma_start3A_51 = arith.constant 0 : i32
        %dma_start3A_52 = tpu.memref_slice %arg11[%dma_start3A_50, %dma_start3A_51] : memref<10240x64xf32, #tpu.memory_space<vmem_shared>> -> memref<10240x64xf32, #tpu.memory_space<vmem_shared>>
        tpu.enqueue_indirect_dma source(%arg9 : memref<128x64xf32, #tpu.memory_space<vmem>>) target(%dma_start3A_52 : memref<10240x64xf32, #tpu.memory_space<vmem_shared>>) offsets(%dma_start3A_49 : memref<128xi32, #tpu.memory_space<vmem>>) semaphore(%run_scoped3A : memref<!tpu.dma_semaphore, #tpu.memory_space<semaphore_mem>>) {add = true}
        %dma_wait3A_53 = arith.constant 0 : i32
        %dma_wait3A_54 = tpu.memref_slice %arg8[%mul3A_23, %dma_wait3A_53] : memref<80x128xi32, #tpu.memory_space<vmem>> -> memref<1x128xi32, #tpu.memory_space<vmem>>
        %dma_wait3A_55 = tpu.memref_squeeze %dma_wait3A_54 : memref<1x128xi32, #tpu.memory_space<vmem>> -> memref<128xi32, #tpu.memory_space<vmem>>
        %dma_wait3A_56 = arith.constant 0 : i32
        %dma_wait3A_57 = arith.constant 0 : i32
        %dma_wait3A_58 = tpu.memref_slice %arg11[%dma_wait3A_56, %dma_wait3A_57] : memref<10240x64xf32, #tpu.memory_space<vmem_shared>> -> memref<10240x64xf32, #tpu.memory_space<vmem_shared>>
        tpu.wait_indirect_dma semaphore(%run_scoped3A : memref<!tpu.dma_semaphore, #tpu.memory_space<semaphore_mem>>) src(%arg9 : memref<128x64xf32, #tpu.memory_space<vmem>>) dst(%dma_wait3A_58 : memref<10240x64xf32, #tpu.memory_space<vmem_shared>>)
        tpu.yield
      }) : () -> ()
      %lt3A = arith.constant 80 : i32
      %lt3A_39 = arith.cmpi slt, %add3A_27, %lt3A : i32
      %convert_element_type3A = arith.extui %lt3A_39 : i1 to i32
      %cond3A = arith.constant 0 : i32
      %cond3A_40 = arith.cmpi ne, %convert_element_type3A, %cond3A : i32
      scf.if %cond3A_40 {
        %dma_start3A_47 = arith.constant 0 : i32
        %dma_start3A_48 = tpu.memref_slice %arg7[%add3A_27, %dma_start3A_47] : memref<80x128xi32, #tpu.memory_space<vmem>> -> memref<1x128xi32, #tpu.memory_space<vmem>>
        %dma_start3A_49 = tpu.memref_squeeze %dma_start3A_48 : memref<1x128xi32, #tpu.memory_space<vmem>> -> memref<128xi32, #tpu.memory_space<vmem>>
        %dma_start3A_50 = arith.constant 0 : i32
        %dma_start3A_51 = arith.constant 0 : i32
        %dma_start3A_52 = tpu.memref_slice %arg2[%dma_start3A_50, %dma_start3A_51] : memref<10240x64xf32, #tpu.memory_space<hbm>> -> memref<10240x64xf32, #tpu.memory_space<hbm>>
        tpu.enqueue_indirect_dma source(%dma_start3A_52 : memref<10240x64xf32, #tpu.memory_space<hbm>>) target(%arg9 : memref<128x64xf32, #tpu.memory_space<vmem>>) offsets(%dma_start3A_49 : memref<128xi32, #tpu.memory_space<vmem>>) semaphore(%arg12 : memref<!tpu.dma_semaphore, #tpu.memory_space<semaphore_mem>>)
      } else {
      }
      %dma_wait3A_41 = arith.constant 0 : i32
      %dma_wait3A_42 = tpu.memref_slice %arg7[%add3A_25, %dma_wait3A_41] : memref<80x128xi32, #tpu.memory_space<vmem>> -> memref<1x128xi32, #tpu.memory_space<vmem>>
      %dma_wait3A_43 = tpu.memref_squeeze %dma_wait3A_42 : memref<1x128xi32, #tpu.memory_space<vmem>> -> memref<128xi32, #tpu.memory_space<vmem>>
      %dma_wait3A_44 = arith.constant 0 : i32
      %dma_wait3A_45 = arith.constant 0 : i32
      %dma_wait3A_46 = tpu.memref_slice %arg2[%dma_wait3A_44, %dma_wait3A_45] : memref<10240x64xf32, #tpu.memory_space<hbm>> -> memref<10240x64xf32, #tpu.memory_space<hbm>>
      tpu.wait_indirect_dma semaphore(%arg13 : memref<!tpu.dma_semaphore, #tpu.memory_space<semaphore_mem>>) src(%dma_wait3A_46 : memref<10240x64xf32, #tpu.memory_space<hbm>>) dst(%arg10 : memref<128x64xf32, #tpu.memory_space<vmem>>)
      "tpu.region"() ({
        %run_scoped3A = tpu.sem_alloc : memref<!tpu.dma_semaphore, #tpu.memory_space<semaphore_mem>>
        %dma_start3A_47 = arith.constant 0 : i32
        %dma_start3A_48 = tpu.memref_slice %arg8[%add3A_25, %dma_start3A_47] : memref<80x128xi32, #tpu.memory_space<vmem>> -> memref<1x128xi32, #tpu.memory_space<vmem>>
        %dma_start3A_49 = tpu.memref_squeeze %dma_start3A_48 : memref<1x128xi32, #tpu.memory_space<vmem>> -> memref<128xi32, #tpu.memory_space<vmem>>
        %dma_start3A_50 = arith.constant 0 : i32
        %dma_start3A_51 = arith.constant 0 : i32
        %dma_start3A_52 = tpu.memref_slice %arg11[%dma_start3A_50, %dma_start3A_51] : memref<10240x64xf32, #tpu.memory_space<vmem_shared>> -> memref<10240x64xf32, #tpu.memory_space<vmem_shared>>
        tpu.enqueue_indirect_dma source(%arg10 : memref<128x64xf32, #tpu.memory_space<vmem>>) target(%dma_start3A_52 : memref<10240x64xf32, #tpu.memory_space<vmem_shared>>) offsets(%dma_start3A_49 : memref<128xi32, #tpu.memory_space<vmem>>) semaphore(%run_scoped3A : memref<!tpu.dma_semaphore, #tpu.memory_space<semaphore_mem>>) {add = true}
        %dma_wait3A_53 = arith.constant 0 : i32
        %dma_wait3A_54 = tpu.memref_slice %arg8[%add3A_25, %dma_wait3A_53] : memref<80x128xi32, #tpu.memory_space<vmem>> -> memref<1x128xi32, #tpu.memory_space<vmem>>
        %dma_wait3A_55 = tpu.memref_squeeze %dma_wait3A_54 : memref<1x128xi32, #tpu.memory_space<vmem>> -> memref<128xi32, #tpu.memory_space<vmem>>
        %dma_wait3A_56 = arith.constant 0 : i32
        %dma_wait3A_57 = arith.constant 0 : i32
        %dma_wait3A_58 = tpu.memref_slice %arg11[%dma_wait3A_56, %dma_wait3A_57] : memref<10240x64xf32, #tpu.memory_space<vmem_shared>> -> memref<10240x64xf32, #tpu.memory_space<vmem_shared>>
        tpu.wait_indirect_dma semaphore(%run_scoped3A : memref<!tpu.dma_semaphore, #tpu.memory_space<semaphore_mem>>) src(%arg10 : memref<128x64xf32, #tpu.memory_space<vmem>>) dst(%dma_wait3A_58 : memref<10240x64xf32, #tpu.memory_space<vmem_shared>>)
        tpu.yield
      }) : () -> ()
    }
    %scan3A_15 = arith.constant 40 : i32
    %barrier3A_16 = arith.constant 0 : index
    tpu.barrier barrier_id(%barrier3A_16)
    %mul3A_17 = arith.constant 640 : i32
    %mul3A_18 = arith.muli %arg1, %mul3A_17 : i32
    %mul3A_19 = arith.constant 640 : i32
    %mul3A_20 = arith.muli %arg1, %mul3A_19 : i32
    "tpu.region"() ({
      %run_scoped3A = tpu.sem_alloc : memref<!tpu.dma_semaphore, #tpu.memory_space<semaphore_mem>>
      %dma_start3A_21 = arith.constant 0 : i32
      %dma_start3A_22 = tpu.memref_slice %arg6[%arg0, %mul3A_20, %dma_start3A_21] : memref<2x10240x64xf32, #tpu.memory_space<hbm>> -> memref<1x640x64xf32, #tpu.memory_space<hbm>>
      %dma_start3A_23 = tpu.memref_squeeze %dma_start3A_22 : memref<1x640x64xf32, #tpu.memory_space<hbm>> -> memref<640x64xf32, #tpu.memory_space<hbm>>
      %dma_start3A_24 = arith.constant 0 : i32
      %dma_start3A_25 = tpu.memref_slice %arg11[%mul3A_18, %dma_start3A_24] : memref<10240x64xf32, #tpu.memory_space<vmem_shared>> -> memref<640x64xf32, #tpu.memory_space<vmem_shared>>
      tpu.enqueue_dma source(%dma_start3A_25 : memref<640x64xf32, #tpu.memory_space<vmem_shared>>) target(%dma_start3A_23 : memref<640x64xf32, #tpu.memory_space<hbm>>) target_semaphore(%run_scoped3A : memref<!tpu.dma_semaphore, #tpu.memory_space<semaphore_mem>>)
      %dma_wait3A = arith.constant 0 : i32
      %dma_wait3A_26 = tpu.memref_slice %arg6[%arg0, %mul3A_20, %dma_wait3A] : memref<2x10240x64xf32, #tpu.memory_space<hbm>> -> memref<1x640x64xf32, #tpu.memory_space<hbm>>
      %dma_wait3A_27 = tpu.memref_squeeze %dma_wait3A_26 : memref<1x640x64xf32, #tpu.memory_space<hbm>> -> memref<640x64xf32, #tpu.memory_space<hbm>>
      %dma_wait3A_28 = arith.constant 0 : i32
      %dma_wait3A_29 = tpu.memref_slice %arg11[%mul3A_18, %dma_wait3A_28] : memref<10240x64xf32, #tpu.memory_space<vmem_shared>> -> memref<640x64xf32, #tpu.memory_space<vmem_shared>>
      tpu.wait_dma2 semaphore(%run_scoped3A : memref<!tpu.dma_semaphore, #tpu.memory_space<semaphore_mem>>) src(%dma_wait3A_29 : memref<640x64xf32, #tpu.memory_space<vmem_shared>>) dst(%dma_wait3A_27 : memref<640x64xf32, #tpu.memory_space<hbm>>)
      tpu.yield
    }) : () -> ()
    return
  }
}

module attributes {stable_mosaic.version = 14 : i64} {
  func.func @_tc_matmul(%arg0: i32, %arg1: memref<640x128xf32, #tpu.memory_space<vmem>>, %arg2: memref<128x64xf32, #tpu.memory_space<vmem>>, %arg3: memref<640x64xf32, #tpu.memory_space<vmem>>) attributes {dimension_semantics = [#tpu.dimension_semantics<arbitrary>], iteration_bounds = array<i64: 16>, scalar_prefetch = 0 : i64, scratch_operands = 0 : i64, tpu.core_type = #tpu.core_type<tc>, window_params = [{transform_indices = @transform_0, window_bounds = array<i64: 640, 128>}, {pipeline_mode = #tpu.pipeline_mode<synchronous>, transform_indices = @transform_1, window_bounds = array<i64: 128, 64>}, {transform_indices = @transform_2, window_bounds = array<i64: 640, 64>}]} {
    %get3A = arith.constant 0 : index
    %get3A_0 = arith.constant 0 : index
    %get3A_1 = vector.load %arg1[%get3A, %get3A_0] : memref<640x128xf32, #tpu.memory_space<vmem>>, vector<640x128xf32>
    %get3A_2 = arith.constant 0 : index
    %get3A_3 = arith.constant 0 : index
    %get3A_4 = vector.load %arg2[%get3A_2, %get3A_3] : memref<128x64xf32, #tpu.memory_space<vmem>>, vector<128x64xf32>
    %dot_general3A = arith.constant dense<0.000000e+00> : vector<640x64xf32>
    %dot_general3A_5 = tpu.matmul %get3A_1, %get3A_4, %dot_general3A {dimension_numbers = #tpu.dot_dimension_numbers<[1], [0], [0], [1], [0, 0, 1, 1], [], []>, transpose_lhs_hint = false} : vector<640x128xf32>, vector<128x64xf32>, vector<640x64xf32> -> vector<640x64xf32>
    %swap3A = arith.constant 0 : index
    %swap3A_6 = arith.constant 0 : index
    %swap3A_7 = vector.load %arg3[%swap3A, %swap3A_6] : memref<640x64xf32, #tpu.memory_space<vmem>>, vector<640x64xf32>
    tpu.vector_store %arg3[%swap3A, %swap3A_6], %dot_general3A_5 {strides = array<i32>} : memref<640x64xf32, #tpu.memory_space<vmem>>, vector<640x64xf32>,
    return
  }
  func.func @transform_0(%arg0: i32) -> (i32, i32) {
    %c0_i32 = arith.constant 0 : i32
    %c0_i32_0 = arith.constant 0 : i32
    return %arg0, %c0_i32 : i32, i32
  }
  func.func @transform_1(%arg0: i32) -> (i32, i32) {
    %c0_i32 = arith.constant 0 : i32
    %c0_i32_0 = arith.constant 0 : i32
    %c0_i32_1 = arith.constant 0 : i32
    return %c0_i32, %c0_i32_0 : i32, i32
  }
  func.func @transform_2(%arg0: i32) -> (i32, i32) {
    %c0_i32 = arith.constant 0 : i32
    %c0_i32_0 = arith.constant 0 : i32
    return %arg0, %c0_i32 : i32, i32
  }
}

module attributes {stable_mosaic.version = 14 : i64} {
  func.func @_tc_stage2(%arg0: i32, %arg1: memref<2x640x64xf32, #tpu.memory_space<vmem>>, %arg2: memref<640x64xf32, #tpu.memory_space<vmem>>, %arg3: memref<640x1xf32, #tpu.memory_space<vmem>>, %arg4: memref<1x64xf32, #tpu.memory_space<vmem>>, %arg5: memref<64x64xf32, #tpu.memory_space<vmem>>, %arg6: memref<640x64xf32, #tpu.memory_space<vmem>>) attributes {dimension_semantics = [#tpu.dimension_semantics<arbitrary>], iteration_bounds = array<i64: 16>, scalar_prefetch = 0 : i64, scratch_operands = 0 : i64, tpu.core_type = #tpu.core_type<tc>, window_params = [{transform_indices = @transform_0, window_bounds = array<i64: 2, 640, 64>}, {transform_indices = @transform_1, window_bounds = array<i64: 640, 64>}, {transform_indices = @transform_2, window_bounds = array<i64: 640, 1>}, {pipeline_mode = #tpu.pipeline_mode<synchronous>, transform_indices = @transform_3, window_bounds = array<i64: 1, 64>}, {pipeline_mode = #tpu.pipeline_mode<synchronous>, transform_indices = @transform_4, window_bounds = array<i64: 64, 64>}, {transform_indices = @transform_5, window_bounds = array<i64: 640, 64>}]} {
    %get3A = arith.constant 0 : index
    %get3A_0 = arith.constant 0 : index
    %get3A_1 = arith.constant 0 : index
    %get3A_2 = vector.load %arg1[%get3A, %get3A_0, %get3A_1] : memref<2x640x64xf32, #tpu.memory_space<vmem>>, vector<2x640x64xf32>
    %get3A_3 = arith.constant 0 : index
    %get3A_4 = arith.constant 0 : index
    %get3A_5 = vector.load %arg3[%get3A_3, %get3A_4] : memref<640x1xf32, #tpu.memory_space<vmem>>, vector<640x1xf32>
    %slice3A = vector.extract_strided_slice %get3A_2 {offsets = [0, 0, 0], sizes = [1, 640, 64], strides = [1, 1, 1]} : vector<2x640x64xf32> to vector<1x640x64xf32>
    %squeeze3A = vector.shape_cast %slice3A : vector<1x640x64xf32> to vector<640x64xf32>
    %slice3A_6 = vector.extract_strided_slice %get3A_2 {offsets = [1, 0, 0], sizes = [1, 640, 64], strides = [1, 1, 1]} : vector<2x640x64xf32> to vector<1x640x64xf32>
    %squeeze3A_7 = vector.shape_cast %slice3A_6 : vector<1x640x64xf32> to vector<640x64xf32>
    %add3A = arith.addf %squeeze3A, %squeeze3A_7 : vector<640x64xf32>
    %get3A_8 = arith.constant 0 : index
    %get3A_9 = arith.constant 0 : index
    %get3A_10 = vector.load %arg2[%get3A_8, %get3A_9] : memref<640x64xf32, #tpu.memory_space<vmem>>, vector<640x64xf32>
    %mul3A = vector.broadcast %get3A_5 : vector<640x1xf32> to vector<640x64xf32>
    %mul3A_11 = arith.mulf %get3A_10, %mul3A : vector<640x64xf32>
    %add3A_12 = arith.addf %add3A, %mul3A_11 : vector<640x64xf32>
    %mul3A_13 = vector.broadcast %get3A_5 : vector<640x1xf32> to vector<640x64xf32>
    %mul3A_14 = arith.mulf %add3A_12, %mul3A_13 : vector<640x64xf32>
    %get3A_15 = arith.constant 0 : index
    %get3A_16 = arith.constant 0 : index
    %get3A_17 = vector.load %arg4[%get3A_15, %get3A_16] : memref<1x64xf32, #tpu.memory_space<vmem>>, vector<1x64xf32>
    %add3A_18 = vector.broadcast %get3A_17 : vector<1x64xf32> to vector<640x64xf32>
    %add3A_19 = arith.addf %mul3A_14, %add3A_18 : vector<640x64xf32>
    %max3A = arith.constant 0.000000e+00 : f32
    %max3A_20 = vector.broadcast %max3A : f32 to vector<640x64xf32>
    %max3A_21 = arith.maximumf %add3A_19, %max3A_20 : vector<640x64xf32>
    %get3A_22 = arith.constant 0 : index
    %get3A_23 = arith.constant 0 : index
    %get3A_24 = vector.load %arg5[%get3A_22, %get3A_23] : memref<64x64xf32, #tpu.memory_space<vmem>>, vector<64x64xf32>
    %dot_general3A = arith.constant dense<0.000000e+00> : vector<640x64xf32>
    %dot_general3A_25 = tpu.matmul %max3A_21, %get3A_24, %dot_general3A {dimension_numbers = #tpu.dot_dimension_numbers<[1], [0], [0], [1], [0, 0, 1, 1], [], []>, transpose_lhs_hint = false} : vector<640x64xf32>, vector<64x64xf32>, vector<640x64xf32> -> vector<640x64xf32>
    %mul3A_26 = vector.broadcast %get3A_5 : vector<640x1xf32> to vector<640x64xf32>
    %mul3A_27 = arith.mulf %dot_general3A_25, %mul3A_26 : vector<640x64xf32>
    %swap3A = arith.constant 0 : index
    %swap3A_28 = arith.constant 0 : index
    %swap3A_29 = vector.load %arg6[%swap3A, %swap3A_28] : memref<640x64xf32, #tpu.memory_space<vmem>>, vector<640x64xf32>
    tpu.vector_store %arg6[%swap3A, %swap3A_28], %mul3A_27 {strides = array<i32>} : memref<640x64xf32, #tpu.memory_space<vmem>>, vector<640x64xf32>,
    return
  }
  func.func @transform_0(%arg0: i32) -> (i32, i32, i32) {
    %c0_i32 = arith.constant 0 : i32
    %c0_i32_0 = arith.constant 0 : i32
    %c0_i32_1 = arith.constant 0 : i32
    return %c0_i32, %arg0, %c0_i32_0 : i32, i32, i32
  }
  func.func @transform_1(%arg0: i32) -> (i32, i32) {
    %c0_i32 = arith.constant 0 : i32
    %c0_i32_0 = arith.constant 0 : i32
    return %arg0, %c0_i32 : i32, i32
  }
  func.func @transform_2(%arg0: i32) -> (i32, i32) {
    %c0_i32 = arith.constant 0 : i32
    %c0_i32_0 = arith.constant 0 : i32
    return %arg0, %c0_i32 : i32, i32
  }
  func.func @transform_3(%arg0: i32) -> (i32, i32) {
    %c0_i32 = arith.constant 0 : i32
    %c0_i32_0 = arith.constant 0 : i32
    %c0_i32_1 = arith.constant 0 : i32
    return %c0_i32, %c0_i32_0 : i32, i32
  }
  func.func @transform_4(%arg0: i32) -> (i32, i32) {
    %c0_i32 = arith.constant 0 : i32
    %c0_i32_0 = arith.constant 0 : i32
    %c0_i32_1 = arith.constant 0 : i32
    return %c0_i32, %c0_i32_0 : i32, i32
  }
  func.func @transform_5(%arg0: i32) -> (i32, i32) {
    %c0_i32 = arith.constant 0 : i32
    %c0_i32_0 = arith.constant 0 : i32
    return %arg0, %c0_i32 : i32, i32
  }
}

module attributes {stable_mosaic.version = 14 : i64} {
  func.func @_tc_stage3(%arg0: i32, %arg1: memref<2x640x64xf32, #tpu.memory_space<vmem>>, %arg2: memref<640x64xf32, #tpu.memory_space<vmem>>, %arg3: memref<640x1xf32, #tpu.memory_space<vmem>>, %arg4: memref<1x64xf32, #tpu.memory_space<vmem>>, %arg5: memref<64x1xf32, #tpu.memory_space<vmem>>, %arg6: memref<1x1xf32, #tpu.memory_space<vmem>>, %arg7: memref<640x1xf32, #tpu.memory_space<vmem>>) attributes {dimension_semantics = [#tpu.dimension_semantics<arbitrary>], iteration_bounds = array<i64: 16>, scalar_prefetch = 0 : i64, scratch_operands = 0 : i64, tpu.core_type = #tpu.core_type<tc>, window_params = [{transform_indices = @transform_0, window_bounds = array<i64: 2, 640, 64>}, {transform_indices = @transform_1, window_bounds = array<i64: 640, 64>}, {transform_indices = @transform_2, window_bounds = array<i64: 640, 1>}, {pipeline_mode = #tpu.pipeline_mode<synchronous>, transform_indices = @transform_3, window_bounds = array<i64: 1, 64>}, {pipeline_mode = #tpu.pipeline_mode<synchronous>, transform_indices = @transform_4, window_bounds = array<i64: 64, 1>}, {pipeline_mode = #tpu.pipeline_mode<synchronous>, transform_indices = @transform_5, window_bounds = array<i64: 1, 1>}, {transform_indices = @transform_6, window_bounds = array<i64: 640, 1>}]} {
    %get3A = arith.constant 0 : index
    %get3A_0 = arith.constant 0 : index
    %get3A_1 = arith.constant 0 : index
    %get3A_2 = vector.load %arg1[%get3A, %get3A_0, %get3A_1] : memref<2x640x64xf32, #tpu.memory_space<vmem>>, vector<2x640x64xf32>
    %slice3A = vector.extract_strided_slice %get3A_2 {offsets = [0, 0, 0], sizes = [1, 640, 64], strides = [1, 1, 1]} : vector<2x640x64xf32> to vector<1x640x64xf32>
    %squeeze3A = vector.shape_cast %slice3A : vector<1x640x64xf32> to vector<640x64xf32>
    %slice3A_3 = vector.extract_strided_slice %get3A_2 {offsets = [1, 0, 0], sizes = [1, 640, 64], strides = [1, 1, 1]} : vector<2x640x64xf32> to vector<1x640x64xf32>
    %squeeze3A_4 = vector.shape_cast %slice3A_3 : vector<1x640x64xf32> to vector<640x64xf32>
    %add3A = arith.addf %squeeze3A, %squeeze3A_4 : vector<640x64xf32>
    %get3A_5 = arith.constant 0 : index
    %get3A_6 = arith.constant 0 : index
    %get3A_7 = vector.load %arg2[%get3A_5, %get3A_6] : memref<640x64xf32, #tpu.memory_space<vmem>>, vector<640x64xf32>
    %add3A_8 = arith.addf %add3A, %get3A_7 : vector<640x64xf32>
    %get3A_9 = arith.constant 0 : index
    %get3A_10 = arith.constant 0 : index
    %get3A_11 = vector.load %arg3[%get3A_9, %get3A_10] : memref<640x1xf32, #tpu.memory_space<vmem>>, vector<640x1xf32>
    %mul3A = vector.broadcast %get3A_11 : vector<640x1xf32> to vector<640x64xf32>
    %mul3A_12 = arith.mulf %add3A_8, %mul3A : vector<640x64xf32>
    %get3A_13 = arith.constant 0 : index
    %get3A_14 = arith.constant 0 : index
    %get3A_15 = vector.load %arg4[%get3A_13, %get3A_14] : memref<1x64xf32, #tpu.memory_space<vmem>>, vector<1x64xf32>
    %add3A_16 = vector.broadcast %get3A_15 : vector<1x64xf32> to vector<640x64xf32>
    %add3A_17 = arith.addf %mul3A_12, %add3A_16 : vector<640x64xf32>
    %max3A = arith.constant 0.000000e+00 : f32
    %max3A_18 = vector.broadcast %max3A : f32 to vector<640x64xf32>
    %max3A_19 = arith.maximumf %add3A_17, %max3A_18 : vector<640x64xf32>
    %get3A_20 = arith.constant 0 : index
    %get3A_21 = arith.constant 0 : index
    %get3A_22 = vector.load %arg5[%get3A_20, %get3A_21] : memref<64x1xf32, #tpu.memory_space<vmem>>, vector<64x1xf32>
    %dot_general3A = arith.constant dense<0.000000e+00> : vector<640x1xf32>
    %dot_general3A_23 = tpu.matmul %max3A_19, %get3A_22, %dot_general3A {dimension_numbers = #tpu.dot_dimension_numbers<[1], [0], [0], [1], [0, 0, 1, 1], [], []>, transpose_lhs_hint = false} : vector<640x64xf32>, vector<64x1xf32>, vector<640x1xf32> -> vector<640x1xf32>
    %get3A_24 = arith.constant 0 : index
    %get3A_25 = arith.constant 0 : index
    %get3A_26 = vector.load %arg6[%get3A_24, %get3A_25] : memref<1x1xf32, #tpu.memory_space<vmem>>, vector<1x1xf32>
    %add3A_27 = vector.broadcast %get3A_26 : vector<1x1xf32> to vector<640x1xf32>
    %add3A_28 = arith.addf %dot_general3A_23, %add3A_27 : vector<640x1xf32>
    %swap3A = arith.constant 0 : index
    %swap3A_29 = arith.constant 0 : index
    %swap3A_30 = vector.load %arg7[%swap3A, %swap3A_29] : memref<640x1xf32, #tpu.memory_space<vmem>>, vector<640x1xf32>
    tpu.vector_store %arg7[%swap3A, %swap3A_29], %add3A_28 {strides = array<i32>} : memref<640x1xf32, #tpu.memory_space<vmem>>, vector<640x1xf32>,
    return
  }
  func.func @transform_0(%arg0: i32) -> (i32, i32, i32) {
    %c0_i32 = arith.constant 0 : i32
    %c0_i32_0 = arith.constant 0 : i32
    %c0_i32_1 = arith.constant 0 : i32
    return %c0_i32, %arg0, %c0_i32_0 : i32, i32, i32
  }
  func.func @transform_1(%arg0: i32) -> (i32, i32) {
    %c0_i32 = arith.constant 0 : i32
    %c0_i32_0 = arith.constant 0 : i32
    return %arg0, %c0_i32 : i32, i32
  }
  func.func @transform_2(%arg0: i32) -> (i32, i32) {
    %c0_i32 = arith.constant 0 : i32
    %c0_i32_0 = arith.constant 0 : i32
    return %arg0, %c0_i32 : i32, i32
  }
  func.func @transform_3(%arg0: i32) -> (i32, i32) {
    %c0_i32 = arith.constant 0 : i32
    %c0_i32_0 = arith.constant 0 : i32
    %c0_i32_1 = arith.constant 0 : i32
    return %c0_i32, %c0_i32_0 : i32, i32
  }
  func.func @transform_4(%arg0: i32) -> (i32, i32) {
    %c0_i32 = arith.constant 0 : i32
    %c0_i32_0 = arith.constant 0 : i32
    %c0_i32_1 = arith.constant 0 : i32
    return %c0_i32, %c0_i32_0 : i32, i32
  }
  func.func @transform_5(%arg0: i32) -> (i32, i32) {
    %c0_i32 = arith.constant 0 : i32
    %c0_i32_0 = arith.constant 0 : i32
    %c0_i32_1 = arith.constant 0 : i32
    return %c0_i32, %c0_i32_0 : i32, i32
  }
  func.func @transform_6(%arg0: i32) -> (i32, i32) {
    %c0_i32 = arith.constant 0 : i32
    %c0_i32_0 = arith.constant 0 : i32
    return %arg0, %c0_i32 : i32, i32
  }
}

</mosaic_0001>

<sc_bundles>
// kernel: kernel.10.cloned.1.call-start
scs
__scs_entry_jumppad:
0x0: {  	(pc) =	sbr.rel $0x88, $3  }
0x1: {  	(tag) =	ssettag $0x0;
	lr =	simm.s32 $0x1  }
0x2: {  	[smem:$0x3F99] =	sst lr;
	_ =	strace $0xD0000000  }
0x3: {  	_ = 	snop  }
0x4: {  	_ = 	snop  }
0x5: {  	_ = 	snop  }
0x6: {  	_ = 	snop  }
0x7: {  	_ = 	snop  }
__scs_overlays_trampoline_lowered:
0x8: {  	[smem:$0x3FA8] =	sst s0  }
0x9: {  	[smem:$0x3FA9] =	sst s1  }
0xa: {  	[smem:$0x3FAA] =	sst s2  }
0xb: {  	[smem:$0x3FAB] =	sst s3  }
0xc: {  	[smem:$0x3FAC] =	sst s4  }
0xd: {  	[smem:$0x3FAD] =	sst s5  }
0xe: {  	[smem:$0x3FAE] =	sst s6  }
0xf: {  	[smem:$0x3FAF] =	sst s7  }
0x10: {  	[smem:$0x3FB0] =	sst s8  }
0x11: {  	[smem:$0x3FB1] =	sst s9;
	s0 =	simm.s32 @!p0 $0x0  }
0x12: {  	s1 =	sld [smem:$0x3F97];
	s0 =	simm.s32 @p0 $0x1  }
0x13: {  	[smem:$0x3FB2] =	sst s0;
	s0 =	simm.s32 @!p1 $0x0  }
0x14: {  	s2 =	sld [smem:$0x3F96];
	s0 =	simm.s32 @p1 $0x1  }
0x15: {  	[smem:$0x3FB3] =	sst s0;
	s0 =	simm.s32 @!p2 $0x0  }
0x16: {  	s3 =	sld [smem:$0x3FDB];
	s0 =	simm.s32 @p2 $0x1  }
0x17: {  	s4 =	simm.s32 $0x1BF5;
	[smem:$0x3FB5] =	sst s0  }
0x18: {  	s0 =	sld [smem:$0x3F98];
	_ =	swait.ge [sflag:s4], $0x0  }
0x19: {  	s7 =	sld [smem:$0x3F99]  }
0x1a: {  	s8 =	sadd.s32 $0xFFFFE003, lr  }
0x1b: {  	s9 =	sadd.s32 $0xFFFFFEF7, lr;
	s5 =	simm.s32 $0xFFFFFFFF;
	p2 =	slt.u32 s8, $0xFFFFF086  }
0x1c: {  	p1 =	slt.u32 s9, $0xF7A;
	s5 =	simm.s32 @!p2 $0x0  }
0x1d: {  	s5 =	simm.s32 @p1 $0x1;
	p0 =	seq.s32 s7, s2  }
0x1e: {  	s7 =	smul.u32 @!p0 $0xF7A, s2;
	p2 =	seq.s32 @!p0 s5, $0x0  }
0x1f: {  	s9 =	smul.u32 $0xF7A, s1;
	s8 =	simm.s32 @!p0 $0x1BF5;
	p2 =	por !p2, p0  }
0x20: {  	[sflag:s8] =	ssyncset.s32 @!p0 $0xFFFFF086;
	s6 =	sadd.s32 @!p0 s3, s7;
	s7 =	simm.s32 @!p0 $0x108  }
0x21: {  	s3 =	sadd.s32 s3, s9;
	s6 =	sadd.s32 @!p0 $0x88, s6;
	s7 =	simm.s32 @p2 $0x1082  }
0x22: {  	[simem:s7], [sflag:s8] =	dma.local @!p0 [hbm:s6], $0xF7A  }
0x23: {  	s9 =	sor.u32 $0xD0000000, s2;
	s6 =	simm.s32 $0x108;
	_ =	swait.ge @!p0 [sflag:s8], $0x0  }
0x24: {  	s3 =	sadd.s32 $0x88, s3;
	s6 =	simm.s32 @!p1 $0x1082;
	[sflag:s4] =	ssyncset.s32 $0xFFFFF086  }
0x25: {  	[simem:s6], [sflag:s4] =	dma.local [hbm:s3], $0xF7A  }
0x26: {  	[smem:$0x3F99] =	sst s1;
	(tag) =	ssettag s2;
	_ =	strace s9  }
0x27: {  	s1 =	sld [smem:$0x3FA9]  }
0x28: {  	s2 =	sld [smem:$0x3FAA]  }
0x29: {  	s4 =	sld [smem:$0x3FAC]  }
0x2a: {  	p0 =	seq.s32 s5, $0x0;
	s5 =	sld [smem:$0x3FAD]  }
0x2b: {  	s6 =	sld [smem:$0x3FAE]  }
0x2c: {  	s7 =	sld [smem:$0x3FAF]  }
0x2d: {  	s3 =	simm.s32 $0x108;
	s8 =	sld [smem:$0x3FB0]  }
0x2e: {  	s3 =	simm.s32 @!p0 $0x1082;
	s9 =	sld [smem:$0x3FB1]  }
0x2f: {  	lr =	sadd.s32 s0, s3;
	s0 =	sld [smem:$0x3FA8]  }
0x30: {  	s3 =	sld [smem:$0x3FAB]  }
0x31: {  	[smem:$0x3FB4] =	sst s10  }
0x32: {  	s10 =	sld [smem:$0x3FB2];
	_ =	sdelay $0x3  }
0x33: {  	p0 =	seq.s32 s10, $0x1;
	s10 =	sld [smem:$0x3FB4];
	_ =	sdelay $0x3  }
0x34: {  	[smem:$0x3FB4] =	sst s10  }
0x35: {  	s10 =	sld [smem:$0x3FB3];
	_ =	sdelay $0x3  }
0x36: {  	p1 =	seq.s32 s10, $0x1;
	s10 =	sld [smem:$0x3FB4];
	_ =	sdelay $0x3  }
0x37: {  	[smem:$0x3FB4] =	sst s10  }
0x38: {  	s10 =	sld [smem:$0x3FB5]  }
0x39: {  	_ = 	snop;
	(pc) =	sbr.ind lr, $3  }
0x3a: {  	_ = 	snop  }
0x3b: {  	_ = 	snop  }
0x3c: {  	p2 =	seq.s32 s10, $0x1;
	s10 =	sld [smem:$0x3FB4]  }
0x3d: {  	_ =	shalt  }
0x3e: {  	_ =	shalt  }
0x3f: {  	_ =	shalt  }
0x40: {  	_ =	shalt  }
0x41: {  	_ =	shalt  }
0x42: {  	_ =	shalt  }
0x43: {  	_ =	shalt  }
0x44: {  	_ =	shalt  }
0x45: {  	_ =	shalt  }
0x46: {  	_ =	shalt  }
0x47: {  	_ =	shalt  }
0x48: {  	_ =	shalt  }
0x49: {  	_ =	shalt  }
0x4a: {  	_ =	shalt  }
0x4b: {  	_ =	shalt  }
0x4c: {  	_ =	shalt  }
0x4d: {  	_ =	shalt  }
0x4e: {  	_ =	shalt  }
0x4f: {  	_ =	shalt  }
0x50: {  	_ =	shalt  }
0x51: {  	_ =	shalt  }
0x52: {  	_ =	shalt  }
0x53: {  	_ =	shalt  }
0x54: {  	_ =	shalt  }
0x55: {  	_ =	shalt  }
0x56: {  	_ =	shalt  }
0x57: {  	_ =	shalt  }
0x58: {  	_ =	shalt  }
0x59: {  	_ =	shalt  }
0x5a: {  	_ =	shalt  }
0x5b: {  	_ =	shalt  }
0x5c: {  	_ =	shalt  }
0x5d: {  	_ =	shalt  }
0x5e: {  	_ =	shalt  }
0x5f: {  	_ =	shalt  }
0x60: {  	_ =	shalt  }
0x61: {  	_ =	shalt  }
0x62: {  	_ =	shalt  }
0x63: {  	_ =	shalt  }
0x64: {  	_ =	shalt  }
0x65: {  	_ =	shalt  }
0x66: {  	_ =	shalt  }
0x67: {  	_ =	shalt  }
0x68: {  	_ =	shalt  }
0x69: {  	_ =	shalt  }
0x6a: {  	_ =	shalt  }
0x6b: {  	_ =	shalt  }
0x6c: {  	_ =	shalt  }
0x6d: {  	_ =	shalt  }
0x6e: {  	_ =	shalt  }
0x6f: {  	_ =	shalt  }
0x70: {  	_ =	shalt  }
0x71: {  	_ =	shalt  }
0x72: {  	_ =	shalt  }
0x73: {  	_ =	shalt  }
0x74: {  	_ =	shalt  }
0x75: {  	_ =	shalt  }
0x76: {  	_ =	shalt  }
0x77: {  	_ =	shalt  }
0x78: {  	_ =	shalt  }
0x79: {  	_ =	shalt  }
0x7a: {  	_ =	shalt  }
0x7b: {  	_ =	shalt  }
0x7c: {  	_ =	shalt  }
0x7d: {  	_ =	shalt  }
0x7e: {  	_ =	shalt  }
0x7f: {  	_ =	shalt  }
0x80: {  	_ =	shalt  }
0x81: {  	_ =	shalt  }
0x82: {  	_ =	shalt  }
0x83: {  	_ =	shalt  }
0x84: {  	_ =	shalt  }
0x85: {  	_ =	shalt  }
0x86: {  	_ =	shalt  }
0x87: {  	_ =	shalt  }
.Lfunc_end0:
.L_simem_size_0:
called_computation.1_lowered:
.L_overlay_start_0:
0x88: {  	s2 =	sld [smem:$0x3FD9]  }
0x89: {  	s3 =	sld [smem:$0x3FFE];
	_ =	sdelay $0x1  }
0x8a: {  	s1 =	srdreg.scid  }
0x8b: {  	s0 =	sand.u32 $0x1, s1  }
0x8c: {  	s16 =	sshll.u32 s0, $0xA;
	s2 =	sadd.s32 s3, s2  }
0x8d: {  	s2 =	sadd.s32 s2, s16  }
0x8e: {  	[smem:$0x3FC0] =	sst s2  }
0x8f: {  	_ = 	snop  }
0x90: {  	(tm) =	ssettm $0x1  }
0x91: {  	s17 =	sld [smem:$0x3FFB];
	_ =	sdelay $0x3  }
0x92: {  	_ =	strace s17  }
0x93: {  	s2 =	sld [smem:$0x3FFC];
	_ =	sdelay $0x3  }
0x94: {  	_ =	strace s2  }
0x95: {  	s2 =	sld [smem:$0x3FFD];
	_ =	sdelay $0x3  }
0x96: {  	_ =	strace s2  }
0x97: {  	_ =	strace $0x8FFFFFFF  }
0x98: {  	s18 =	sld [smem:$0x3FDB];
	_ =	sdelay $0x1  }
0x99: {  	s19 =	simm.s32 $_scs_section_size  }
0x9a: {  	s4 =	simm.s32 $_size__tile_overlayer_lowered;
	s5 =	simm.s32 $_tile_overlayer_lowered  }
0x9b: {  	s22 =	simm.s32 $0x1BFF;
	s21 =	sshll.u32 s5, $0x1;
	s2 =	sadd.s32 s19, s18  }
0x9c: {  	s6 =	simm.s32 $0x0;
	s20 =	sshll.u32 s4, $0x1;
	s4 =	sadd.s32 s21, s2  }
0x9d: {  	[timem:s6], [sflag:s22] =	dma.local [hbm:s4], s20  }
0x9e: {  	_ =	swait.ge [sflag:s22], s20  }
0x9f: {  	s3 =	ssub.s32 $0x0, s20;
	[sflag:s22] =	ssyncset.done $0x0  }
0xa0: {  	[sflag:s22] =	ssyncadd.s32 s3;
	_ =	sdelay $0x1  }
0xa1: {  	s23 =	simm.s32 $0x1B8B  }
0xa2: {  	_ =	swait.ge [sflag:s23], $0x1  }
0xa3: {  	[sflag:s23] =	ssyncset.done $0x0  }
0xa4: {  	s25 =	simm.s32 $0x1B8E;
	s24 =	sld [smem:$0x3FFE];
	[sflag:s23] =	ssyncadd.s32 $0xFFFFFFFF  }
0xa5: {  	s26 =	simm.s32 $execute0_lowered;
	[smem:$0x3FD2] =	sst s25  }
0xa6: {  	s4 =	sshll.u32 s26, $0x1;
	_ =	strace $0x80000049;
	[dreg:$0x1] =	wrdreg $0xFFFFFFFF  }
0xa7: {  	s28 =	simm.s32 $_size_execute0_lowered;
	s2 =	sadd.s32 s2, s4;
	[dreg:$0x0] =	wrdreg $0x0  }
0xa8: {  	s4 =	sshll.u32 s28, $0x1;
	[dreg:$0x2] =	wrdreg s2  }
0xa9: {  	[dreg:$0x3] =	wrdreg s4  }
0xaa: {  	[dreg:$0x4] =	wrdreg $0xC0  }
0xab: {  	_ =	task [dreg:s6], $0x5FFFF  }
0xac: {  	[dreg:$0x1] =	wrdreg $0xFFFFFFFF  }
0xad: {  	[dreg:$0x0] =	wrdreg $0x60  }
0xae: {  	[dreg:$0x2] =	wrdreg s24  }
0xaf: {  	[dreg:$0x3] =	wrdreg $0x90000  }
0xb0: {  	[dreg:$0x4] =	wrdreg $0x9  }
0xb1: {  	_ =	task.clear_ibuf [dreg:s6], $0x5FFFF;
	_ =	strace $0x90000049  }
0xb2: {  	s29 =	simm.s32 $0x9;
	_ =	strace $0x8000004B  }
0xb3: {  	_ =	swait.ge [sflag:s29], $0x1  }
0xb4: {  	[sflag:s29] =	ssyncadd.s32 $0xFFFFFFFF  }
0xb5: {  	_ =	strace $0x9000004B  }
0xb6: {  	_ =	sfence  }
0xb7: {  	s30 =	sld [smem:$0x0];
	_ =	sdelay $0x2  }
0xb8: {  	s31 =	sshll.u32 s1, $0xD;
	s1 =	sshrl.u32 s1, $0x2  }
0xb9: {  	s3 =	sand.u32 $0x4000, s31;
	s1 =	sadd.s32 s1, s30  }
0xba: {  	s0 =	sor.u32 s3, s0;
	s1 =	sshll.u32 s1, $0x11  }
0xbb: {  	s0 =	sor.u32 s1, s0  }
0xbc: {  	s0 =	sadd.s32 $0x8F2B, s0  }
0xbd: {  	[sflag:s0] =	ssyncadd.remote.s32 $0x1  }
0xbe: {  	_ =	sfence.sel $0xFFFF  }
0xbf: {  	[dreg:$0x0] =	wrdreg $0xFFFFFFFF;
	(pc) =	sbr.abs _section_cstart, $3  }
0xc0: {  	[dreg:$0x1] =	wrdreg $0xFFFFFFFF  }
0xc1: {  	_ =	task.clear_ibuf [dreg:s6], $0x2FFFF;
	_ =	strace $0x9FFFFFFF  }
0xc2: {  	(tm) =	ssettm $0x7FFFFFFF  }
0xc3: {  	_ =	shalt  }
tec
execute0_lowered:
.L_overlay_start_1:
0x0: {  	(tag) =	ssettag $0x1  }
0x1: {  	s1 =	srdreg.scid;
	s6 =	rddreg [dreg:$0x0]  }
0x2: {  	s0 =	stileid.u32;
	s2 =	rddreg [dreg:$0x1];
	s3 =	simm.s32 $0x0  }
0x3: {  	s14 =	simm.s32 $0x80;
	s15 =	simm.s32 $0x5000;
	s16 =	simm.s32 $0x7000  }
0x4: {  	s17 =	simm.s32 $0x1;
	s18 =	simm.s32 $0x2;
	s19 =	simm.s32 $0x2780  }
0x5: {  	s20 =	simm.s32 $0x4F00;
	s21 =	simm.s32 $0x4F80;
	s22 =	simm.s32 $0x0  }
0x6: {  	s5 =	sand.u32 $0x1, s1;
	s26 =	sshll.u32 s0, $0x1;
	s8 =	smul.u32 $0xA000, s0  }
0x7: {  	[smem:$0x7FF] =	sst s3;
	s4 =	sadd.s32 $0xC00, s6;
	s31 =	sshll.u32 s0, $0x6  }
0x8: {  	s1 =	sor.u32 s5, s26;
	s9 =	smul.u32 $0xA0000, s5;
	s5 =	ssub.s32 $0x2, s5  }
0x9: {  	s7 =	smul.u32 $0x500, s1;
	s1 =	rddreg [dreg:$0x2];
	_ =	strace $0x8000004A  }
0xa: {  	s29 =	sshrl.u32 s8, $0x3;
	s30 =	sshrl.u32 s5, $0x1;
	s13 =	sadd.s32 s8, s2  }
0xb: {  	s28 =	sadd.s32 s8, s9;
	s9 =	sadd.s32 s29, s6;
	s12 =	ssub.s32 s5, s30  }
0xc: {  	s10 =	sadd.s32 s7, s6;
	s7 =	sshrl.u32 s28, $0x3;
	s5 =	sadd.s32 $0x28C00, s9  }
0xd: {  	s11 =	sadd.s32 s7, s6;
	s6 =	sor.u32 $0x1C03, s31;
	s7 =	sadd.s32 $0x1EC00, s10  }
0xe: {  	s8 =	sadd.s32 $0x14C00, s10;
	s10 =	smax.u32 s12, $0x1;
	s12 =	simm.s32 $0x3  }
0xf: {  	s9 =	sadd.s32 $0x3CC00, s11;
	s11 =	sshrl.u32 s13, $0x3;
	s13 =	simm.s32 $0x2800  }
.LBB2_1:
0x10: {  	[spmem:s11], [sflag:s6] =	dma.local [hbm:s5], $0x1400  }
0x11: {  	_ =	swait.ge [sflag:s12], $0x1400  }
0x12: {  	[sflag:s12] =	ssyncset.done $0x0  }
0x13: {  	[sflag:s12] =	ssyncadd.s32 $0xFFFFEC00  }
0x14: {  	[tilespmem:s3], [sflag:$0x3] =	stream.linear.gather [hbm4b:s7+s3], $0x2800, $0x38;
	[tilespmem:$0x13000] =	vst v63  }
0x15: {  	_ =	swait.ge [sflag:s12], $0x2800  }
0x16: {  	[sflag:s12] =	ssyncset.done $0x0  }
0x17: {  	[sflag:s12] =	ssyncadd.s32 $0xFFFFD800  }
0x18: {  	[tilespmem:s13], [sflag:$0x3] =	stream.linear.gather [hbm4b:s8+s3], $0x2800, $0x38;
	[tilespmem:$0x13000] =	vst v63  }
0x19: {  	_ =	swait.ge [sflag:s12], $0x2800  }
0x1a: {  	[sflag:s12] =	ssyncset.done $0x0  }
0x1b: {  	[sflag:s12] =	ssyncadd.s32 $0xFFFFD800  }
0x1c: {  	[bflag:$0x0] =	sbarrier.arrive $0xFFFF  }
0x1d: {  	[tilespmem:s15], [sflag:$0x1] =	stream.indirect.gather [hbm4b:s4+s14], $0x40, s3, s14, $0xb8;
	[tilespmem:$0x13000] =	vst v63  }
0x1e: {  	s23 =	simm.s32 $0x80  }
0x1f: {  	[tilespmem:s16], [sflag:$0x2] =	stream.indirect.gather [hbm4b:s4+s14], $0x40, s23, s14, $0xb8;
	[tilespmem:$0x13000] =	vst v63  }
0x20: {  	_ =	swait.ge [sflag:s17], $0x2000  }
0x21: {  	[sflag:s17] =	ssyncset.done $0x0  }
0x22: {  	s29 =	simm.s32 $0x2800;
	[sflag:s17] =	ssyncadd.s32 $0xFFFFE000  }
0x23: {  	[spmem:s2] =	stream.indirect.scatter.add.f32 [tilespmem:s15], [sflag:$0x3], $0x40, s29, s14, $0xb8;
	[tilespmem:$0x13000] =	vst v63  }
0x24: {  	_ =	swait.ge [sflag:s12], $0x2000  }
0x25: {  	[sflag:s12] =	ssyncset.done $0x0  }
0x26: {  	s30 =	simm.s32 $0x100;
	[sflag:s12] =	ssyncadd.s32 $0xFFFFE000  }
0x27: {  	[tilespmem:s15], [sflag:$0x1] =	stream.indirect.gather [hbm4b:s4+s14], $0x40, s30, s14, $0xb8;
	[tilespmem:$0x13000] =	vst v63  }
0x28: {  	_ =	swait.ge [sflag:s18], $0x2000  }
0x29: {  	[sflag:s18] =	ssyncset.done $0x0  }
0x2a: {  	s31 =	simm.s32 $0x2880;
	[sflag:s18] =	ssyncadd.s32 $0xFFFFE000  }
0x2b: {  	[spmem:s2] =	stream.indirect.scatter.add.f32 [tilespmem:s16], [sflag:$0x3], $0x40, s31, s14, $0xb8;
	[tilespmem:$0x13000] =	vst v63  }
0x2c: {  	_ =	swait.ge [sflag:s12], $0x2000  }
0x2d: {  	s24 =	simm.s32 $0x800;
	s23 =	simm.s32 $0x100;
	[sflag:s12] =	ssyncset.done $0x0  }
.LBB2_2:
0x2e: {  	s25 =	sadd.s32 $0x80, s23  }
0x2f: {  	[sflag:s12] =	ssyncadd.s32 $0xFFFFE000;
	s26 =	smov.u32 s24;
	s28 =	sadd.s32 $0x400, s24  }
0x30: {  	[tilespmem:s16], [sflag:$0x2] =	stream.indirect.gather [hbm4b:s4+s14], $0x40, s25, s14, $0xb8;
	[tilespmem:$0x13000] =	vst v63  }
0x31: {  	p0 =	sne.s32 s24, $0x9800;
	_ =	swait.ge [sflag:s17], $0x2000  }
0x32: {  	[sflag:s17] =	ssyncset.done $0x0  }
0x33: {  	s24 =	sadd.s32 $0x2800, s23;
	[sflag:s17] =	ssyncadd.s32 $0xFFFFE000  }
0x34: {  	[spmem:s2] =	stream.indirect.scatter.add.f32 [tilespmem:s15], [sflag:$0x3], $0x40, s24, s14, $0xb8;
	[tilespmem:$0x13000] =	vst v63  }
0x35: {  	_ =	swait.ge [sflag:s12], $0x2000  }
0x36: {  	[sflag:s12] =	ssyncset.done $0x0  }
0x37: {  	s24 =	sadd.s32 $0x100, s23;
	[sflag:s12] =	ssyncadd.s32 $0xFFFFE000  }
0x38: {  	[tilespmem:s15], [sflag:$0x1] =	stream.indirect.gather [hbm4b:s4+s14], $0x40, s24, s14, $0xb8;
	[tilespmem:$0x13000] =	vst v63  }
0x39: {  	_ =	swait.ge [sflag:s18], $0x2000  }
.Ltmp0:
0x3a: {  	[sflag:s18] =	ssyncset.done $0x0;
	(pc) =	sbr.rel @p0 .LBB2_2-.Ltmp0, $4  }
0x3b: {  	s23 =	sadd.s32 $0x2880, s23;
	[sflag:s18] =	ssyncadd.s32 $0xFFFFE000  }
0x3c: {  	[spmem:s2] =	stream.indirect.scatter.add.f32 [tilespmem:s16], [sflag:$0x3], $0x40, s23, s14, $0xb8;
	[tilespmem:$0x13000] =	vst v63  }
0x3d: {  	_ =	swait.ge [sflag:s12], $0x2000  }
0x3e: {  	s24 =	smov.u32 s28;
	s23 =	sshra.s32 s26, $0x2;
	[sflag:s12] =	ssyncset.done $0x0  }
0x3f: {  	s24 =	sadd.s32 $0x80, s23;
	[sflag:s12] =	ssyncadd.s32 $0xFFFFE000  }
0x40: {  	[tilespmem:s16], [sflag:$0x2] =	stream.indirect.gather [hbm4b:s4+s14], $0x40, s24, s14, $0xb8;
	[tilespmem:$0x13000] =	vst v63  }
0x41: {  	_ =	swait.ge [sflag:s17], $0x2000  }
0x42: {  	[sflag:s17] =	ssyncset.done $0x0  }
0x43: {  	s29 =	sadd.s32 $0x2800, s23;
	[sflag:s17] =	ssyncadd.s32 $0xFFFFE000  }
0x44: {  	[spmem:s2] =	stream.indirect.scatter.add.f32 [tilespmem:s15], [sflag:$0x3], $0x40, s29, s14, $0xb8;
	[tilespmem:$0x13000] =	vst v63  }
0x45: {  	_ =	swait.ge [sflag:s12], $0x2000  }
0x46: {  	[sflag:s12] =	ssyncset.done $0x0  }
0x47: {  	s30 =	sadd.s32 $0x100, s23;
	[sflag:s12] =	ssyncadd.s32 $0xFFFFE000  }
0x48: {  	[tilespmem:s15], [sflag:$0x1] =	stream.indirect.gather [hbm4b:s4+s14], $0x40, s30, s14, $0xb8;
	[tilespmem:$0x13000] =	vst v63  }
0x49: {  	_ =	swait.ge [sflag:s18], $0x2000  }
0x4a: {  	[sflag:s18] =	ssyncset.done $0x0  }
0x4b: {  	s31 =	sadd.s32 $0x2880, s23;
	[sflag:s18] =	ssyncadd.s32 $0xFFFFE000  }
0x4c: {  	[spmem:s2] =	stream.indirect.scatter.add.f32 [tilespmem:s16], [sflag:$0x3], $0x40, s31, s14, $0xb8;
	[tilespmem:$0x13000] =	vst v63  }
0x4d: {  	_ =	swait.ge [sflag:s12], $0x2000  }
0x4e: {  	[sflag:s12] =	ssyncset.done $0x0  }
0x4f: {  	[sflag:s12] =	ssyncadd.s32 $0xFFFFE000  }
0x50: {  	[tilespmem:s16], [sflag:$0x2] =	stream.indirect.gather [hbm4b:s4+s14], $0x40, s19, s14, $0xb8;
	[tilespmem:$0x13000] =	vst v63  }
0x51: {  	_ =	swait.ge [sflag:s17], $0x2000  }
0x52: {  	[sflag:s17] =	ssyncset.done $0x0  }
0x53: {  	[sflag:s17] =	ssyncadd.s32 $0xFFFFE000  }
0x54: {  	[spmem:s2] =	stream.indirect.scatter.add.f32 [tilespmem:s15], [sflag:$0x3], $0x40, s20, s14, $0xb8;
	[tilespmem:$0x13000] =	vst v63  }
0x55: {  	_ =	swait.ge [sflag:s12], $0x2000  }
0x56: {  	[sflag:s12] =	ssyncset.done $0x0  }
0x57: {  	[sflag:s12] =	ssyncadd.s32 $0xFFFFE000  }
0x58: {  	_ =	swait.ge [sflag:s18], $0x2000  }
0x59: {  	[sflag:s18] =	ssyncset.done $0x0  }
0x5a: {  	[sflag:s18] =	ssyncadd.s32 $0xFFFFE000  }
0x5b: {  	[spmem:s2] =	stream.indirect.scatter.add.f32 [tilespmem:s16], [sflag:$0x3], $0x40, s21, s14, $0xb8;
	[tilespmem:$0x13000] =	vst v63  }
0x5c: {  	_ =	swait.ge [sflag:s12], $0x2000  }
0x5d: {  	s22 =	sadd.s32 $0x1, s22;
	[sflag:s12] =	ssyncset.done $0x0  }
0x5e: {  	p0 =	sne.s32 s22, s10;
	[sflag:s12] =	ssyncadd.s32 $0xFFFFE000  }
.Ltmp1:
0x5f: {  	[bflag:$0x0] =	sbarrier.arrive $0xFFFF;
	(pc) =	sbr.rel @p0 .LBB2_1-.Ltmp1, $4  }
0x60: {  	[hbm:s9], [sflag:s6] =	dma.local [spmem:s11], $0x1400  }
0x61: {  	_ =	swait.ge [sflag:s12], $0x1400  }
0x62: {  	[sflag:s12] =	ssyncset.done $0x0  }
0x63: {  	[sflag:s12] =	ssyncadd.s32 $0xFFFFEC00  }
0x64: {  	_ =	sfence.sel $0x180000  }
0x65: {  	[bflag:$0x0] =	sbarrier.arrive $0xFFFF  }
0x66: {  	p0 =	sne.s32 s0, $0x0;
	_ =	strace $0x9000004A  }
0x67: {  	s0 =	sadd.s32 @!p0 $0x100000, s1;
	[bflag:$0x2] =	sbarrier.arrive $0xFFFF  }
0x68: {  	[sflag:s0] =	ssyncadd.tile.s32 @!p0 $0x1;
	_ =	shalt  }
.Lfunc_end2:
_tile_overlayer_lowered:
.L_overlay_start_2:
0x69: {  	(tag) =	ssettag $0x2  }
0x6a: {  	s0 =	rddreg [dreg:$0x0];
	s2 =	stileid.u32  }
0x6b: {  	s1 =	rddreg [dreg:$0x1];
	p0 =	sne.s32 s2, $0x0  }
0x6c: {  	s3 =	rddreg [dreg:$0x2];
	[bflag:$0x3] =	sbarrier.arrive $0xFFFF;
	s2 =	simm.s32 @!p0 $0x1C03  }
0x6d: {  	[timem:s3], [sflag:s2] =	dma.local @!p0 [hbm:s0], s1  }
0x6e: {  	s0 =	simm.s32 @!p0 $0x3  }
0x6f: {  	_ =	swait.ge @!p0 [sflag:s0], s1  }
0x70: {  	s1 =	ssub.s32 @!p0 $0x0, s1;
	[sflag:s0] =	ssyncset.done @!p0 $0x0  }
0x71: {  	[sflag:s0] =	ssyncadd.s32 @!p0 s1  }
0x72: {  	[bflag:$0x3] =	sbarrier.arrive $0xFFFF  }
0x73: {  	_ =	shalt  }

// kernel: kernel.7.cloned.1.call-start
scs
__scs_entry_jumppad:
0x0: {  	(pc) =	sbr.rel $0x88, $3  }
0x1: {  	(tag) =	ssettag $0x0;
	lr =	simm.s32 $0x1  }
0x2: {  	[smem:$0x3F99] =	sst lr;
	_ =	strace $0xD0000000  }
0x3: {  	_ = 	snop  }
0x4: {  	_ = 	snop  }
0x5: {  	_ = 	snop  }
0x6: {  	_ = 	snop  }
0x7: {  	_ = 	snop  }
__scs_overlays_trampoline_lowered:
0x8: {  	[smem:$0x3FA8] =	sst s0  }
0x9: {  	[smem:$0x3FA9] =	sst s1  }
0xa: {  	[smem:$0x3FAA] =	sst s2  }
0xb: {  	[smem:$0x3FAB] =	sst s3  }
0xc: {  	[smem:$0x3FAC] =	sst s4  }
0xd: {  	[smem:$0x3FAD] =	sst s5  }
0xe: {  	[smem:$0x3FAE] =	sst s6  }
0xf: {  	[smem:$0x3FAF] =	sst s7  }
0x10: {  	[smem:$0x3FB0] =	sst s8  }
0x11: {  	[smem:$0x3FB1] =	sst s9;
	s0 =	simm.s32 @!p0 $0x0  }
0x12: {  	s1 =	sld [smem:$0x3F97];
	s0 =	simm.s32 @p0 $0x1  }
0x13: {  	[smem:$0x3FB2] =	sst s0;
	s0 =	simm.s32 @!p1 $0x0  }
0x14: {  	s2 =	sld [smem:$0x3F96];
	s0 =	simm.s32 @p1 $0x1  }
0x15: {  	[smem:$0x3FB3] =	sst s0;
	s0 =	simm.s32 @!p2 $0x0  }
0x16: {  	s3 =	sld [smem:$0x3FDB];
	s0 =	simm.s32 @p2 $0x1  }
0x17: {  	s4 =	simm.s32 $0x1BF5;
	[smem:$0x3FB5] =	sst s0  }
0x18: {  	s0 =	sld [smem:$0x3F98];
	_ =	swait.ge [sflag:s4], $0x0  }
0x19: {  	s7 =	sld [smem:$0x3F99]  }
0x1a: {  	s8 =	sadd.s32 $0xFFFFE003, lr  }
0x1b: {  	s9 =	sadd.s32 $0xFFFFFEF7, lr;
	s5 =	simm.s32 $0xFFFFFFFF;
	p2 =	slt.u32 s8, $0xFFFFF086  }
0x1c: {  	p1 =	slt.u32 s9, $0xF7A;
	s5 =	simm.s32 @!p2 $0x0  }
0x1d: {  	s5 =	simm.s32 @p1 $0x1;
	p0 =	seq.s32 s7, s2  }
0x1e: {  	s7 =	smul.u32 @!p0 $0xF7A, s2;
	p2 =	seq.s32 @!p0 s5, $0x0  }
0x1f: {  	s9 =	smul.u32 $0xF7A, s1;
	s8 =	simm.s32 @!p0 $0x1BF5;
	p2 =	por !p2, p0  }
0x20: {  	[sflag:s8] =	ssyncset.s32 @!p0 $0xFFFFF086;
	s6 =	sadd.s32 @!p0 s3, s7;
	s7 =	simm.s32 @!p0 $0x108  }
0x21: {  	s3 =	sadd.s32 s3, s9;
	s6 =	sadd.s32 @!p0 $0x88, s6;
	s7 =	simm.s32 @p2 $0x1082  }
0x22: {  	[simem:s7], [sflag:s8] =	dma.local @!p0 [hbm:s6], $0xF7A  }
0x23: {  	s9 =	sor.u32 $0xD0000000, s2;
	s6 =	simm.s32 $0x108;
	_ =	swait.ge @!p0 [sflag:s8], $0x0  }
0x24: {  	s3 =	sadd.s32 $0x88, s3;
	s6 =	simm.s32 @!p1 $0x1082;
	[sflag:s4] =	ssyncset.s32 $0xFFFFF086  }
0x25: {  	[simem:s6], [sflag:s4] =	dma.local [hbm:s3], $0xF7A  }
0x26: {  	[smem:$0x3F99] =	sst s1;
	(tag) =	ssettag s2;
	_ =	strace s9  }
0x27: {  	s1 =	sld [smem:$0x3FA9]  }
0x28: {  	s2 =	sld [smem:$0x3FAA]  }
0x29: {  	s4 =	sld [smem:$0x3FAC]  }
0x2a: {  	p0 =	seq.s32 s5, $0x0;
	s5 =	sld [smem:$0x3FAD]  }
0x2b: {  	s6 =	sld [smem:$0x3FAE]  }
0x2c: {  	s7 =	sld [smem:$0x3FAF]  }
0x2d: {  	s3 =	simm.s32 $0x108;
	s8 =	sld [smem:$0x3FB0]  }
0x2e: {  	s3 =	simm.s32 @!p0 $0x1082;
	s9 =	sld [smem:$0x3FB1]  }
0x2f: {  	lr =	sadd.s32 s0, s3;
	s0 =	sld [smem:$0x3FA8]  }
0x30: {  	s3 =	sld [smem:$0x3FAB]  }
0x31: {  	[smem:$0x3FB4] =	sst s10  }
0x32: {  	s10 =	sld [smem:$0x3FB2];
	_ =	sdelay $0x3  }
0x33: {  	p0 =	seq.s32 s10, $0x1;
	s10 =	sld [smem:$0x3FB4];
	_ =	sdelay $0x3  }
0x34: {  	[smem:$0x3FB4] =	sst s10  }
0x35: {  	s10 =	sld [smem:$0x3FB3];
	_ =	sdelay $0x3  }
0x36: {  	p1 =	seq.s32 s10, $0x1;
	s10 =	sld [smem:$0x3FB4];
	_ =	sdelay $0x3  }
0x37: {  	[smem:$0x3FB4] =	sst s10  }
0x38: {  	s10 =	sld [smem:$0x3FB5]  }
0x39: {  	_ = 	snop;
	(pc) =	sbr.ind lr, $3  }
0x3a: {  	_ = 	snop  }
0x3b: {  	_ = 	snop  }
0x3c: {  	p2 =	seq.s32 s10, $0x1;
	s10 =	sld [smem:$0x3FB4]  }
0x3d: {  	_ =	shalt  }
0x3e: {  	_ =	shalt  }
0x3f: {  	_ =	shalt  }
0x40: {  	_ =	shalt  }
0x41: {  	_ =	shalt  }
0x42: {  	_ =	shalt  }
0x43: {  	_ =	shalt  }
0x44: {  	_ =	shalt  }
0x45: {  	_ =	shalt  }
0x46: {  	_ =	shalt  }
0x47: {  	_ =	shalt  }
0x48: {  	_ =	shalt  }
0x49: {  	_ =	shalt  }
0x4a: {  	_ =	shalt  }
0x4b: {  	_ =	shalt  }
0x4c: {  	_ =	shalt  }
0x4d: {  	_ =	shalt  }
0x4e: {  	_ =	shalt  }
0x4f: {  	_ =	shalt  }
0x50: {  	_ =	shalt  }
0x51: {  	_ =	shalt  }
0x52: {  	_ =	shalt  }
0x53: {  	_ =	shalt  }
0x54: {  	_ =	shalt  }
0x55: {  	_ =	shalt  }
0x56: {  	_ =	shalt  }
0x57: {  	_ =	shalt  }
0x58: {  	_ =	shalt  }
0x59: {  	_ =	shalt  }
0x5a: {  	_ =	shalt  }
0x5b: {  	_ =	shalt  }
0x5c: {  	_ =	shalt  }
0x5d: {  	_ =	shalt  }
0x5e: {  	_ =	shalt  }
0x5f: {  	_ =	shalt  }
0x60: {  	_ =	shalt  }
0x61: {  	_ =	shalt  }
0x62: {  	_ =	shalt  }
0x63: {  	_ =	shalt  }
0x64: {  	_ =	shalt  }
0x65: {  	_ =	shalt  }
0x66: {  	_ =	shalt  }
0x67: {  	_ =	shalt  }
0x68: {  	_ =	shalt  }
0x69: {  	_ =	shalt  }
0x6a: {  	_ =	shalt  }
0x6b: {  	_ =	shalt  }
0x6c: {  	_ =	shalt  }
0x6d: {  	_ =	shalt  }
0x6e: {  	_ =	shalt  }
0x6f: {  	_ =	shalt  }
0x70: {  	_ =	shalt  }
0x71: {  	_ =	shalt  }
0x72: {  	_ =	shalt  }
0x73: {  	_ =	shalt  }
0x74: {  	_ =	shalt  }
0x75: {  	_ =	shalt  }
0x76: {  	_ =	shalt  }
0x77: {  	_ =	shalt  }
0x78: {  	_ =	shalt  }
0x79: {  	_ =	shalt  }
0x7a: {  	_ =	shalt  }
0x7b: {  	_ =	shalt  }
0x7c: {  	_ =	shalt  }
0x7d: {  	_ =	shalt  }
0x7e: {  	_ =	shalt  }
0x7f: {  	_ =	shalt  }
0x80: {  	_ =	shalt  }
0x81: {  	_ =	shalt  }
0x82: {  	_ =	shalt  }
0x83: {  	_ =	shalt  }
0x84: {  	_ =	shalt  }
0x85: {  	_ =	shalt  }
0x86: {  	_ =	shalt  }
0x87: {  	_ =	shalt  }
.Lfunc_end0:
.L_simem_size_0:
called_computation_lowered:
.L_overlay_start_0:
0x88: {  	s2 =	sld [smem:$0x3FD9]  }
0x89: {  	s3 =	sld [smem:$0x3FFE];
	_ =	sdelay $0x1  }
0x8a: {  	s1 =	srdreg.scid  }
0x8b: {  	s0 =	sand.u32 $0x1, s1  }
0x8c: {  	s17 =	sshll.u32 s0, $0xA;
	s2 =	sadd.s32 s3, s2  }
0x8d: {  	s2 =	sadd.s32 s2, s17  }
0x8e: {  	[smem:$0x3FC0] =	sst s2  }
0x8f: {  	_ = 	snop  }
0x90: {  	s2 =	sld [smem:$0x3FD0];
	(tm) =	ssettm $0x1  }
0x91: {  	s18 =	sld [smem:$0x3FFB];
	_ =	sdelay $0x3  }
0x92: {  	_ =	strace s18  }
0x93: {  	s3 =	sld [smem:$0x3FFC];
	_ =	sdelay $0x3  }
0x94: {  	_ =	strace s3  }
0x95: {  	s3 =	sld [smem:$0x3FFD];
	_ =	sdelay $0x3  }
0x96: {  	_ =	strace s3  }
0x97: {  	_ =	strace $0x8FFFFFFF  }
0x98: {  	s19 =	sld [smem:$0x3FDB];
	_ =	sdelay $0x1  }
0x99: {  	s4 =	simm.s32 $_scs_section_size  }
0x9a: {  	s5 =	simm.s32 $_size__tile_overlayer_lowered;
	s6 =	simm.s32 $_tile_overlayer_lowered  }
0x9b: {  	s22 =	simm.s32 $0x1BFF;
	s21 =	sshll.u32 s6, $0x1;
	s3 =	sadd.s32 s4, s19  }
0x9c: {  	s7 =	simm.s32 $0x0;
	s20 =	sshll.u32 s5, $0x1;
	s5 =	sadd.s32 s21, s3  }
0x9d: {  	[timem:s7], [sflag:s22] =	dma.local [hbm:s5], s20  }
0x9e: {  	_ =	swait.ge [sflag:s22], s20  }
0x9f: {  	s4 =	ssub.s32 $0x0, s20;
	[sflag:s22] =	ssyncset.done $0x0  }
0xa0: {  	[sflag:s22] =	ssyncadd.s32 s4;
	_ =	sdelay $0x1  }
0xa1: {  	s23 =	simm.s32 $0x1B8B  }
0xa2: {  	_ =	swait.ge [sflag:s23], $0x1  }
0xa3: {  	[sflag:s23] =	ssyncset.done $0x0  }
0xa4: {  	s25 =	simm.s32 $0x1B8E;
	s24 =	sld [smem:$0x3FFE];
	[sflag:s23] =	ssyncadd.s32 $0xFFFFFFFF  }
0xa5: {  	s26 =	simm.s32 $execute0_lowered;
	[smem:$0x3FD2] =	sst s25  }
0xa6: {  	s5 =	sshll.u32 s26, $0x1;
	_ =	strace $0x80000046;
	[dreg:$0x1] =	wrdreg $0xFFFFFFFF  }
0xa7: {  	s28 =	simm.s32 $_size_execute0_lowered;
	s3 =	sadd.s32 s3, s5;
	[dreg:$0x0] =	wrdreg $0x0  }
0xa8: {  	s5 =	sshll.u32 s28, $0x1;
	[dreg:$0x2] =	wrdreg s3  }
0xa9: {  	[dreg:$0x3] =	wrdreg s5  }
0xaa: {  	[dreg:$0x4] =	wrdreg $0xC0  }
0xab: {  	_ =	task [dreg:s7], $0x5FFFF  }
0xac: {  	[dreg:$0x1] =	wrdreg $0xFFFFFFFF  }
0xad: {  	[dreg:$0x0] =	wrdreg $0x60  }
0xae: {  	[dreg:$0x2] =	wrdreg s24  }
0xaf: {  	[dreg:$0x3] =	wrdreg s2  }
0xb0: {  	[dreg:$0x4] =	wrdreg $0x1DB000  }
0xb1: {  	[dreg:$0x5] =	wrdreg $0x13B000  }
0xb2: {  	[dreg:$0x6] =	wrdreg $0x18B000  }
0xb3: {  	[dreg:$0x7] =	wrdreg $0x9  }
0xb4: {  	_ =	task.clear_ibuf [dreg:s7], $0x8FFFF;
	_ =	strace $0x90000046  }
0xb5: {  	s29 =	simm.s32 $0x9;
	_ =	strace $0x80000048  }
0xb6: {  	_ =	swait.ge [sflag:s29], $0x1  }
0xb7: {  	[sflag:s29] =	ssyncadd.s32 $0xFFFFFFFF  }
0xb8: {  	_ =	strace $0x90000048  }
0xb9: {  	_ =	sfence  }
0xba: {  	s30 =	sld [smem:$0x0];
	_ =	sdelay $0x2  }
0xbb: {  	s31 =	sshll.u32 s1, $0xD;
	s1 =	sshrl.u32 s1, $0x2  }
0xbc: {  	s3 =	sand.u32 $0x4000, s31;
	s1 =	sadd.s32 s1, s30  }
0xbd: {  	s0 =	sor.u32 s3, s0;
	s1 =	sshll.u32 s1, $0x11  }
0xbe: {  	s0 =	sor.u32 s1, s0  }
0xbf: {  	s0 =	sadd.s32 $0x8F2B, s0  }
0xc0: {  	[sflag:s0] =	ssyncadd.remote.s32 $0x1  }
0xc1: {  	_ =	sfence.sel $0xFFFF  }
0xc2: {  	[dreg:$0x0] =	wrdreg $0xFFFFFFFF;
	(pc) =	sbr.abs _section_cstart, $3  }
0xc3: {  	[dreg:$0x1] =	wrdreg $0xFFFFFFFF  }
0xc4: {  	_ =	task.clear_ibuf [dreg:s7], $0x2FFFF;
	_ =	strace $0x9FFFFFFF  }
0xc5: {  	(tm) =	ssettm $0x7FFFFFFF  }
tec
execute0_lowered:
.L_overlay_start_1:
0x0: {  	(tag) =	ssettag $0x1  }
0x1: {  	s0 =	rddreg [dreg:$0x0]  }
0x2: {  	s2 =	rddreg [dreg:$0x1]  }
0x3: {  	s1 =	rddreg [dreg:$0x2];
	s18 =	stileid.u32  }
0x4: {  	s4 =	srdreg.scid;
	s3 =	rddreg [dreg:$0x3];
	s5 =	simm.s32 $0x0  }
0x5: {  	s28 =	simm.s32 $0x80;
	s29 =	simm.s32 $0x13800;
	s30 =	simm.s32 $0x7800  }
0x6: {  	s31 =	simm.s32 $0x8800;
	s6 =	sand.u32 $0x1, s4;
	s8 =	smul.u32 $0xA000, s18  }
0x7: {  	s7 =	sshll.u32 s18, $0x1;
	s4 =	rddreg [dreg:$0x4];
	s14 =	smul.u32 $0x5000, s18  }
0x8: {  	[smem:$0x7FF] =	sst s5;
	s16 =	sadd.s32 $0x14C00, s0;
	s13 =	smul.u32 $0x280, s18  }
0x9: {  	s24 =	sadd.s32 $0x32C00, s0;
	s18 =	sshll.u32 s18, $0x6;
	s9 =	sor.u32 s6, s7  }
0xa: {  	s11 =	smul.u32 $0xA0000, s6;
	_ =	strace $0x80000047;
	[dreg:$0x6] =	wrdreg s24  }
0xb: {  	s26 =	ssub.s32 $0x2, s6;
	s7 =	ssub.s32 s7, s6;
	p0 =	sne.s32 s6, $0x0  }
0xc: {  	s9 =	smul.u32 $0x500, s9;
	s10 =	sshrl.u32 s8, $0x3;
	s23 =	sshrl.u32 s14, $0x3  }
0xd: {  	s25 =	sshrl.u32 s13, $0x3;
	s17 =	sshrl.u32 s26, $0x1;
	s7 =	smul.u32 $0x2800, s7  }
0xe: {  	s12 =	sadd.s32 s10, s0;
	s8 =	sadd.s32 s8, s11;
	s11 =	sadd.s32 s23, s0  }
0xf: {  	s21 =	ssub.s32 s26, s17;
	s2 =	sadd.s32 s2, s25;
	s10 =	sor.u32 $0x1C03, s18  }
0x10: {  	s15 =	sadd.s32 s9, s0;
	s8 =	sshrl.u32 s8, $0x3;
	[dreg:$0x7] =	wrdreg s2  }
0x11: {  	s19 =	sadd.s32 $0x2800, s7;
	s23 =	sadd.s32 s16, s9;
	s24 =	sadd.s32 $0xC00, s12  }
0x12: {  	s18 =	sadd.s32 $0x28C00, s11;
	s21 =	smax.u32 s21, $0x1;
	s7 =	simm.s32 $0x8  }
0x13: {  	s9 =	simm.s32 $0x4;
	s11 =	simm.s32 $0x0;
	s20 =	sadd.s32 s8, s0  }
0x14: {  	s0 =	sadd.s32 s25, s0;
	s8 =	sadd.s32 s13, s1;
	[dreg:$0x9] =	wrdreg s23  }
0x15: {  	s22 =	sadd.s32 $0x1EC00, s15;
	s2 =	sshrl.u32 s19, $0x3;
	[dreg:$0xb] =	wrdreg s24  }
0x16: {  	s25 =	sadd.s32 s14, s4;
	s23 =	simm.s32 $0x2780;
	[dreg:$0x8] =	wrdreg s22  }
0x17: {  	s24 =	simm.s32 $0x4F00;
	s2 =	sadd.s32 s16, s2;
	[dreg:$0xd] =	wrdreg s25  }
0x18: {  	s0 =	sadd.s32 $0x32E00, s0;
	s16 =	sadd.s32 s14, s3;
	[dreg:$0xa] =	wrdreg s2  }
0x19: {  	s26 =	sadd.s32 $0x33400, s20;
	s20 =	sadd.s32 $0x33404, s20;
	[dreg:$0xc] =	wrdreg s0  }
0x1a: {  	s22 =	simm.s32 $0x3;
	s25 =	simm.s32 $0x13A80;
	[dreg:$0xe] =	wrdreg s26  }
0x1b: {  	s2 =	simm.s32 $0x1;
	s0 =	simm.s32 $0x2;
	s26 =	simm.s32 $0x4F80  }
.LBB2_1:
0x1c: {  	s6 =	sshrl.u32 s8, $0x3;
	s12 =	rddreg [dreg:$0x7]  }
0x1d: {  	[spmem:s6], [sflag:s10] =	dma.local [hbm:s12], $0x50  }
0x1e: {  	_ =	swait.ge [sflag:s22], $0x50  }
0x1f: {  	[sflag:s22] =	ssyncset.done $0x0  }
0x20: {  	s12 =	rddreg [dreg:$0x8];
	[sflag:s22] =	ssyncadd.s32 $0xFFFFFFB0  }
0x21: {  	[tilespmem:s5], [sflag:$0x3] =	stream.linear.gather [hbm4b:s12+s5], $0x2800, $0x38;
	[tilespmem:$0x1DD80] =	vst v63  }
0x22: {  	_ =	swait.ge [sflag:s22], $0x2800  }
0x23: {  	[sflag:s22] =	ssyncset.done $0x0  }
0x24: {  	s15 =	simm.s32 $0x2800;
	s14 =	rddreg [dreg:$0x9];
	[sflag:s22] =	ssyncadd.s32 $0xFFFFD800  }
0x25: {  	[tilespmem:s15], [sflag:$0x3] =	stream.linear.gather [hbm4b:s14+s5], $0x2800, $0x38;
	[tilespmem:$0x1DD80] =	vst v63  }
0x26: {  	_ =	swait.ge [sflag:s22], $0x2800  }
0x27: {  	[sflag:s22] =	ssyncset.done $0x0  }
0x28: {  	s19 =	simm.s32 $0x5000;
	s17 =	rddreg [dreg:$0xa];
	[sflag:s22] =	ssyncadd.s32 $0xFFFFD800  }
0x29: {  	[tilespmem:s19], [sflag:$0x3] =	stream.linear.gather [hbm4b:s17+s5], $0x2800, $0x38;
	[tilespmem:$0x1DD80] =	vst v63  }
0x2a: {  	_ =	swait.ge [sflag:s22], $0x2800  }
0x2b: {  	[sflag:s22] =	ssyncset.done $0x0  }
0x2c: {  	s12 =	rddreg [dreg:$0x6];
	[sflag:s22] =	ssyncadd.s32 $0xFFFFD800  }
0x2d: {  	[tilespmem:s25], [sflag:$0x3] =	stream.linear.gather [hbm4b:s12+s5], $0x80, $0x38;
	[tilespmem:$0x1DD80] =	vst v63  }
0x2e: {  	_ =	swait.ge [sflag:s22], $0x80  }
0x2f: {  	[sflag:s22] =	ssyncset.done $0x0  }
0x30: {  	s15 =	simm.s32 $0x9800;
	s14 =	rddreg [dreg:$0xb];
	[sflag:s22] =	ssyncadd.s32 $0xFFFFFF80  }
0x31: {  	[tilespmem:s15], [sflag:$0x3] =	stream.linear.gather [hbm4b:s14+s5], $0xA000, $0x38;
	[tilespmem:$0x1DD80] =	vst v63  }
0x32: {  	_ =	swait.ge [sflag:s22], $0xA000  }
0x33: {  	[sflag:s22] =	ssyncset.done $0x0  }
0x34: {  	[sflag:s22] =	ssyncadd.s32 $0xFFFF6000  }
0x35: {  	s17 =	simm.s32 $0x2800;
	[bflag:$0x0] =	sbarrier.arrive $0xFFFF  }
0x36: {  	[spmem:s1] =	stream.indirect.scatter.add.f32 [tilespmem:s25], [sflag:$0x3], $0x1, s17, s28, $0xb8;
	[tilespmem:$0x1DD80] =	vst v63  }
0x37: {  	_ =	swait.ge [sflag:s22], $0x80  }
0x38: {  	[sflag:s22] =	ssyncset.done $0x0  }
0x39: {  	s19 =	simm.s32 $0x5000;
	[sflag:s22] =	ssyncadd.s32 $0xFFFFFF80  }
0x3a: {  	[spmem:s1] =	stream.indirect.scatter.add.f32 [tilespmem:s25], [sflag:$0x3], $0x1, s19, s28, $0xb8;
	[tilespmem:$0x1DD80] =	vst v63  }
0x3b: {  	_ =	swait.ge [sflag:s22], $0x80  }
0x3c: {  	s6 =	simm.s32 $0x80;
	s12 =	simm.s32 $0x400;
	[sflag:s22] =	ssyncset.done $0x0  }
.LBB2_2:
0x3d: {  	s14 =	sadd.s32 $0x2800, s6  }
0x3e: {  	[sflag:s22] =	ssyncadd.s32 $0xFFFFFF80;
	s15 =	smov.u32 s12;
	s17 =	sadd.s32 $0x200, s12  }
0x3f: {  	[spmem:s1] =	stream.indirect.scatter.add.f32 [tilespmem:s25], [sflag:$0x3], $0x1, s14, s28, $0xb8;
	[tilespmem:$0x1DD80] =	vst v63  }
0x40: {  	p1 =	sne.s32 s12, $0x9E00;
	_ =	swait.ge [sflag:s22], $0x80  }
.Ltmp0:
0x41: {  	[sflag:s22] =	ssyncset.done $0x0;
	(pc) =	sbr.rel @p1 .LBB2_2-.Ltmp0, $4  }
0x42: {  	s6 =	sadd.s32 $0x5000, s6;
	[sflag:s22] =	ssyncadd.s32 $0xFFFFFF80  }
0x43: {  	[spmem:s1] =	stream.indirect.scatter.add.f32 [tilespmem:s25], [sflag:$0x3], $0x1, s6, s28, $0xb8;
	[tilespmem:$0x1DD80] =	vst v63  }
0x44: {  	_ =	swait.ge [sflag:s22], $0x80  }
0x45: {  	s12 =	smov.u32 s17;
	s6 =	sshra.s32 s15, $0x2;
	[sflag:s22] =	ssyncset.done $0x0  }
0x46: {  	s12 =	sadd.s32 $0x2800, s6;
	[sflag:s22] =	ssyncadd.s32 $0xFFFFFF80  }
0x47: {  	[spmem:s1] =	stream.indirect.scatter.add.f32 [tilespmem:s25], [sflag:$0x3], $0x1, s12, s28, $0xb8;
	[tilespmem:$0x1DD80] =	vst v63  }
0x48: {  	_ =	swait.ge [sflag:s22], $0x80  }
0x49: {  	[sflag:s22] =	ssyncset.done $0x0  }
0x4a: {  	s17 =	sadd.s32 $0x5000, s6;
	[sflag:s22] =	ssyncadd.s32 $0xFFFFFF80  }
0x4b: {  	[spmem:s1] =	stream.indirect.scatter.add.f32 [tilespmem:s25], [sflag:$0x3], $0x1, s17, s28, $0xb8;
	[tilespmem:$0x1DD80] =	vst v63  }
0x4c: {  	_ =	swait.ge [sflag:s22], $0x80  }
0x4d: {  	[sflag:s22] =	ssyncset.done $0x0  }
0x4e: {  	[sflag:s22] =	ssyncadd.s32 $0xFFFFFF80  }
0x4f: {  	[bflag:$0x0] =	sbarrier.arrive $0xFFFF  }
0x50: {  	[tilespmem:s29], [sflag:$0x3] =	stream.linear.gather [spmem:s8], $0x280, $0x38;
	[tilespmem:$0x1DD80] =	vst v63  }
0x51: {  	_ =	swait.ge [sflag:s22], $0x280  }
0x52: {  	[sflag:s22] =	ssyncset.done $0x0  }
0x53: {  	s19 =	simm.s32 $0x0;
	[sflag:s22] =	ssyncadd.s32 $0xFFFFFD80  }
0x54: {  	v0 =	vld [tilespmem:s19+$0x13800];
	_ =	sdelay $0x4  }
0x55: {  	v0 =	vadd.f32 $1.000000000e+00, v0;
	_ =	sdelay $0x1  }
0x56: {  	v1 =	vshrl.u32 v0, $0x1;
	v0 =	vmul.f32 $5.000000000e-01, v0  }
0x57: {  	v1 =	vsub.s32 $0x5F3759DF, v1  }
0x58: {  	v2 =	vmul.f32 v1, v0;
	_ =	sdelay $0x1  }
0x59: {  	v2 =	vmul.f32 v1, v2;
	_ =	sdelay $0x1  }
0x5a: {  	v2 =	vsub.f32 $1.500000000e+00, v2;
	_ =	sdelay $0x1  }
0x5b: {  	v1 =	vmul.f32 v1, v2;
	_ =	sdelay $0x1  }
0x5c: {  	v2 =	vmul.f32 v1, v0;
	_ =	sdelay $0x1  }
0x5d: {  	v2 =	vmul.f32 v2, v1;
	_ =	sdelay $0x1  }
0x5e: {  	v2 =	vsub.f32 $1.500000000e+00, v2;
	_ =	sdelay $0x1  }
0x5f: {  	v1 =	vmul.f32 v2, v1;
	_ =	sdelay $0x1  }
0x60: {  	v0 =	vmul.f32 v1, v0;
	_ =	sdelay $0x1  }
0x61: {  	v0 =	vmul.f32 v0, v1;
	_ =	sdelay $0x1  }
0x62: {  	v0 =	vsub.f32 $1.500000000e+00, v0;
	_ =	sdelay $0x1  }
0x63: {  	v0 =	vmul.f32 v0, v1  }
0x64: {  	p1 =	slt.u32 s13, $0x2710  }
0x65: {  	v0 =	vpsel !p1, $0x0, v0  }
0x66: {  	s14 =	simm.s32 $0x80;
	s6 =	smov.u32 s13;
	s12 =	simm.s32 $0x10;
	[tilespmem:s19+$0x13800] =	vst v0  }
.LBB2_4:
0x67: {  	p1 =	sne.s32 s14, $0x9C0;
	v0 =	vld [tilespmem:s12+$0x13800];
	_ =	sdelay $0x4  }
0x68: {  	v0 =	vadd.f32 $1.000000000e+00, v0;
	_ =	sdelay $0x1  }
0x69: {  	v1 =	vshrl.u32 v0, $0x1;
	v0 =	vmul.f32 $5.000000000e-01, v0  }
0x6a: {  	v1 =	vsub.s32 $0x5F3759DF, v1  }
0x6b: {  	v2 =	vmul.f32 v1, v0;
	_ =	sdelay $0x1  }
0x6c: {  	v2 =	vmul.f32 v1, v2;
	_ =	sdelay $0x1  }
0x6d: {  	v2 =	vsub.f32 $1.500000000e+00, v2;
	_ =	sdelay $0x1  }
0x6e: {  	v1 =	vmul.f32 v1, v2;
	_ =	sdelay $0x1  }
0x6f: {  	v2 =	vmul.f32 v1, v0;
	_ =	sdelay $0x1  }
0x70: {  	v2 =	vmul.f32 v2, v1;
	_ =	sdelay $0x1  }
0x71: {  	v2 =	vsub.f32 $1.500000000e+00, v2;
	_ =	sdelay $0x1  }
0x72: {  	v1 =	vmul.f32 v2, v1;
	_ =	sdelay $0x1  }
0x73: {  	v0 =	vmul.f32 v1, v0;
	_ =	sdelay $0x1  }
0x74: {  	v0 =	vmul.f32 v0, v1;
	_ =	sdelay $0x1  }
0x75: {  	v0 =	vsub.f32 $1.500000000e+00, v0  }
.Ltmp1:
0x76: {  	(pc) =	sbr.rel @p1 .LBB2_4-.Ltmp1, $4  }
0x77: {  	s6 =	sadd.s32 $0x10, s6;
	v0 =	vmul.f32 v0, v1  }
0x78: {  	p2 =	slt.u32 s6, $0x2710  }
0x79: {  	v0 =	vpsel !p2, $0x0, v0  }
0x7a: {  	[tilespmem:s12+$0x13800] =	vst v0;
	s12 =	sshra.s32 s14, $0x2;
	s14 =	sadd.s32 $0x40, s14  }
0x7b: {  	v0 =	vld [tilespmem:s12+$0x13800];
	_ =	sdelay $0x4  }
0x7c: {  	v0 =	vadd.f32 $1.000000000e+00, v0;
	_ =	sdelay $0x1  }
0x7d: {  	v1 =	vshrl.u32 v0, $0x1;
	v0 =	vmul.f32 $5.000000000e-01, v0  }
0x7e: {  	v1 =	vsub.s32 $0x5F3759DF, v1  }
0x7f: {  	v2 =	vmul.f32 v1, v0;
	_ =	sdelay $0x1  }
0x80: {  	v2 =	vmul.f32 v1, v2;
	_ =	sdelay $0x1  }
0x81: {  	v2 =	vsub.f32 $1.500000000e+00, v2;
	_ =	sdelay $0x1  }
0x82: {  	v1 =	vmul.f32 v1, v2;
	_ =	sdelay $0x1  }
0x83: {  	v2 =	vmul.f32 v1, v0;
	_ =	sdelay $0x1  }
0x84: {  	v2 =	vmul.f32 v2, v1;
	_ =	sdelay $0x1  }
0x85: {  	v2 =	vsub.f32 $1.500000000e+00, v2;
	_ =	sdelay $0x1  }
0x86: {  	v1 =	vmul.f32 v2, v1;
	_ =	sdelay $0x1  }
0x87: {  	v0 =	vmul.f32 v1, v0;
	_ =	sdelay $0x1  }
0x88: {  	v0 =	vmul.f32 v0, v1;
	_ =	sdelay $0x1  }
0x89: {  	v0 =	vsub.f32 $1.500000000e+00, v0;
	_ =	sdelay $0x1  }
0x8a: {  	s6 =	sadd.s32 $0x10, s6;
	v0 =	vmul.f32 v0, v1  }
0x8b: {  	p1 =	slt.u32 s6, $0x2710  }
0x8c: {  	v0 =	vpsel !p1, $0x0, v0  }
0x8d: {  	s14 =	rddreg [dreg:$0xc];
	s6 =	simm.s32 @!p0 $0x0;
	[tilespmem:s12+$0x13800] =	vst v0;
	s12 =	simm.s32 @!p0 $0x13800  }
0x8e: {  	[hbm4b:s14+s6] =	stream.linear.scatter @!p0 [tilespmem:s12], [sflag:$0x3], $0x280, $0x38;
	[tilespmem:$0x1DD80] =	vst v63  }
0x8f: {  	s17 =	simm.s32 $0x0;
	s6 =	simm.s32 @!p0 $0x3  }
0x90: {  	v0 =	vmov s17;
	_ =	swait.ge @!p0 [sflag:s6], $0x280  }
0x91: {  	[sflag:s6] =	ssyncset.done @!p0 $0x0  }
0x92: {  	[sflag:s6] =	ssyncadd.s32 @!p0 $0xFFFFFD80;
	s6 =	simm.s32 $0x9820  }
0x93: {  	v2 =	vld [tilespmem:s6+$0xFFFFFFF0]  }
0x94: {  	v3 =	vld [tilespmem:s6+$0x10]  }
0x95: {  	v5 =	vld.idx.msk [tilespmem:v0+s29+$0x0], $0xffff  }
0x96: {  	v0 =	vld [tilespmem:s6+$0xFFFFFFE0]  }
0x97: {  	v6 =	vld [tilespmem:s6+$0x0];
	_ =	sdelay $0x3  }
0x98: {  	s19 =	simm.s32 $0x1;
	v1 =	vmul.f32 v0, v5;
	v4 =	vmul.f32 v3, v5  }
0x99: {  	s12 =	simm.s32 $0x2;
	s14 =	simm.s32 $0x9820;
	v0 =	vmov s19;
	v3 =	vmul.f32 v2, v5;
	v2 =	vmul.f32 v6, v5  }
.LBB2_6:
0x9a: {  	p1 =	sne.s32 s12, $0x27F  }
0x9b: {  	[tilespmem:s6+$0x10] =	vst v4;
	s14 =	sadd.s32 $0x40, s14;
	s15 =	smov.u32 s12;
	s12 =	sadd.s32 $0x1, s12  }
0x9c: {  	[tilespmem:s6+$0xFFFFFFE0] =	vst v1  }
0x9d: {  	v5 =	vld [tilespmem:s14+$0xFFFFFFF0];
	[tilespmem:s6+$0xFFFFFFF0] =	vst v3  }
0x9e: {  	v3 =	vld [tilespmem:s14+$0x10];
	[tilespmem:s6+$0x0] =	vst v2;
	s6 =	smov.u32 s14  }
0x9f: {  	v2 =	vld.idx.msk [tilespmem:v0+s29+$0x0], $0xffff  }
0xa0: {  	v0 =	vld [tilespmem:s14+$0xFFFFFFE0]  }
0xa1: {  	v6 =	vld [tilespmem:s14+$0x0]  }
.Ltmp2:
0xa2: {  	(pc) =	sbr.rel @p1 .LBB2_6-.Ltmp2, $3  }
0xa3: {  	_ =	sdelay $0x1  }
0xa4: {  	v4 =	vmul.f32 v3, v2;
	v1 =	vmul.f32 v0, v2  }
0xa5: {  	v3 =	vmul.f32 v5, v2;
	v0 =	vmov s15;
	v2 =	vmul.f32 v6, v2  }
0xa6: {  	[tilespmem:s6+$0x10] =	vst v4  }
0xa7: {  	s12 =	sadd.s32 $0x40, s14;
	[tilespmem:s6+$0xFFFFFFE0] =	vst v1  }
0xa8: {  	v1 =	vld [tilespmem:s12+$0xFFFFFFF0];
	[tilespmem:s6+$0xFFFFFFF0] =	vst v3  }
0xa9: {  	v3 =	vld [tilespmem:s12+$0x10];
	[tilespmem:s6+$0x0] =	vst v2  }
0xaa: {  	v0 =	vld.idx.msk [tilespmem:v0+s29+$0x0], $0xffff  }
0xab: {  	v2 =	vld [tilespmem:s12+$0xFFFFFFE0];
	_ =	sdelay $0x1  }
0xac: {  	v4 =	vld [tilespmem:s12+$0x0];
	_ =	sdelay $0x1  }
0xad: {  	v3 =	vmul.f32 v3, v0  }
0xae: {  	v2 =	vmul.f32 v2, v0  }
0xaf: {  	v1 =	vmul.f32 v1, v0;
	[tilespmem:s12+$0x10] =	vst v3  }
0xb0: {  	v0 =	vmul.f32 v4, v0;
	[tilespmem:s12+$0xFFFFFFE0] =	vst v2  }
0xb1: {  	[tilespmem:s12+$0xFFFFFFF0] =	vst v1  }
0xb2: {  	s19 =	sadd.s32 $0x0, s16;
	s6 =	simm.s32 $0x9800;
	[tilespmem:s12+$0x0] =	vst v0;
	s12 =	simm.s32 $0x80  }
0xb3: {  	[spmem:s19] =	stream.linear.scatter [tilespmem:s6], [sflag:$0x3], $0x20, $0x38;
	[tilespmem:$0x1DD80] =	vst v63  }
.LBB2_8:
0xb4: {  	p1 =	sne.s32 s12, $0x13F80  }
.Ltmp3:
0xb5: {  	_ = 	snop;
	(pc) =	sbr.rel @p1 .LBB2_8-.Ltmp3, $4  }
0xb6: {  	_ = 	snop  }
0xb7: {  	s14 =	sshra.s32 s12, $0x2;
	s12 =	sadd.s32 $0x80, s12  }
0xb8: {  	s6 =	sadd.s32 $0x40, s6;
	s14 =	sadd.s32 s14, s16  }
0xb9: {  	[spmem:s14] =	stream.linear.scatter [tilespmem:s6], [sflag:$0x3], $0x20, $0x38;
	[tilespmem:$0x1DD80] =	vst v63  }
0xba: {  	_ =	swait.ge [sflag:s22], $0x5000  }
0xbb: {  	[sflag:s22] =	ssyncset.done $0x0;
	s6 =	rddreg [dreg:$0xd]  }
0xbc: {  	[sflag:s22] =	ssyncadd.s32 $0xFFFFB000;
	s12 =	sshrl.u32 s6, $0x3  }
0xbd: {  	[spmem:s12], [sflag:s10] =	dma.local [hbm:s18], $0xA00  }
0xbe: {  	_ =	swait.ge [sflag:s22], $0xA00  }
0xbf: {  	[sflag:s22] =	ssyncset.done $0x0  }
0xc0: {  	[sflag:s22] =	ssyncadd.s32 $0xFFFFF600  }
0xc1: {  	s19 =	simm.s32 $0x0;
	[bflag:$0x0] =	sbarrier.arrive $0xFFFF  }
0xc2: {  	[tilespmem:s30], [sflag:$0x1] =	stream.indirect.gather [spmem:s3], $0x20, s19, s28, $0xb8;
	[tilespmem:$0x1DD80] =	vst v63  }
0xc3: {  	s14 =	simm.s32 $0x80  }
0xc4: {  	[tilespmem:s31], [sflag:$0x2] =	stream.indirect.gather [spmem:s3], $0x20, s14, s28, $0xb8;
	[tilespmem:$0x1DD80] =	vst v63  }
0xc5: {  	_ =	swait.ge [sflag:s2], $0x1000  }
0xc6: {  	[sflag:s2] =	ssyncset.done $0x0  }
0xc7: {  	s15 =	simm.s32 $0x2800;
	[sflag:s2] =	ssyncadd.s32 $0xFFFFF000  }
0xc8: {  	[spmem:s4] =	stream.indirect.scatter.add.f32 [tilespmem:s30], [sflag:$0x3], $0x20, s15, s28, $0xb8;
	[tilespmem:$0x1DD80] =	vst v63  }
0xc9: {  	_ =	swait.ge [sflag:s22], $0x1000  }
0xca: {  	[sflag:s22] =	ssyncset.done $0x0  }
0xcb: {  	s17 =	simm.s32 $0x100;
	[sflag:s22] =	ssyncadd.s32 $0xFFFFF000  }
0xcc: {  	[tilespmem:s30], [sflag:$0x1] =	stream.indirect.gather [spmem:s3], $0x20, s17, s28, $0xb8;
	[tilespmem:$0x1DD80] =	vst v63  }
0xcd: {  	_ =	swait.ge [sflag:s0], $0x1000  }
0xce: {  	[sflag:s0] =	ssyncset.done $0x0  }
0xcf: {  	s19 =	simm.s32 $0x2880;
	[sflag:s0] =	ssyncadd.s32 $0xFFFFF000  }
0xd0: {  	[spmem:s4] =	stream.indirect.scatter.add.f32 [tilespmem:s31], [sflag:$0x3], $0x20, s19, s28, $0xb8;
	[tilespmem:$0x1DD80] =	vst v63  }
0xd1: {  	_ =	swait.ge [sflag:s22], $0x1000  }
0xd2: {  	s6 =	simm.s32 $0x100;
	s14 =	simm.s32 $0x800;
	[sflag:s22] =	ssyncset.done $0x0  }
.LBB2_10:
0xd3: {  	s15 =	sadd.s32 $0x80, s6  }
0xd4: {  	[sflag:s22] =	ssyncadd.s32 $0xFFFFF000;
	s17 =	smov.u32 s14;
	s19 =	sadd.s32 $0x400, s14  }
0xd5: {  	[tilespmem:s31], [sflag:$0x2] =	stream.indirect.gather [spmem:s3], $0x20, s15, s28, $0xb8;
	[tilespmem:$0x1DD80] =	vst v63  }
0xd6: {  	p1 =	sne.s32 s14, $0x9800;
	_ =	swait.ge [sflag:s2], $0x1000  }
0xd7: {  	[sflag:s2] =	ssyncset.done $0x0  }
0xd8: {  	s14 =	sadd.s32 $0x2800, s6;
	[sflag:s2] =	ssyncadd.s32 $0xFFFFF000  }
0xd9: {  	[spmem:s4] =	stream.indirect.scatter.add.f32 [tilespmem:s30], [sflag:$0x3], $0x20, s14, s28, $0xb8;
	[tilespmem:$0x1DD80] =	vst v63  }
0xda: {  	_ =	swait.ge [sflag:s22], $0x1000  }
0xdb: {  	[sflag:s22] =	ssyncset.done $0x0  }
0xdc: {  	s14 =	sadd.s32 $0x100, s6;
	[sflag:s22] =	ssyncadd.s32 $0xFFFFF000  }
0xdd: {  	[tilespmem:s30], [sflag:$0x1] =	stream.indirect.gather [spmem:s3], $0x20, s14, s28, $0xb8;
	[tilespmem:$0x1DD80] =	vst v63  }
0xde: {  	_ =	swait.ge [sflag:s0], $0x1000  }
.Ltmp4:
0xdf: {  	[sflag:s0] =	ssyncset.done $0x0;
	(pc) =	sbr.rel @p1 .LBB2_10-.Ltmp4, $4  }
0xe0: {  	s6 =	sadd.s32 $0x2880, s6;
	[sflag:s0] =	ssyncadd.s32 $0xFFFFF000  }
0xe1: {  	[spmem:s4] =	stream.indirect.scatter.add.f32 [tilespmem:s31], [sflag:$0x3], $0x20, s6, s28, $0xb8;
	[tilespmem:$0x1DD80] =	vst v63  }
0xe2: {  	_ =	swait.ge [sflag:s22], $0x1000  }
0xe3: {  	s14 =	smov.u32 s19;
	s6 =	sshra.s32 s17, $0x2;
	[sflag:s22] =	ssyncset.done $0x0  }
0xe4: {  	s14 =	sadd.s32 $0x80, s6;
	[sflag:s22] =	ssyncadd.s32 $0xFFFFF000  }
0xe5: {  	[tilespmem:s31], [sflag:$0x2] =	stream.indirect.gather [spmem:s3], $0x20, s14, s28, $0xb8;
	[tilespmem:$0x1DD80] =	vst v63  }
0xe6: {  	_ =	swait.ge [sflag:s2], $0x1000  }
0xe7: {  	[sflag:s2] =	ssyncset.done $0x0  }
0xe8: {  	s17 =	sadd.s32 $0x2800, s6;
	[sflag:s2] =	ssyncadd.s32 $0xFFFFF000  }
0xe9: {  	[spmem:s4] =	stream.indirect.scatter.add.f32 [tilespmem:s30], [sflag:$0x3], $0x20, s17, s28, $0xb8;
	[tilespmem:$0x1DD80] =	vst v63  }
0xea: {  	_ =	swait.ge [sflag:s22], $0x1000  }
0xeb: {  	[sflag:s22] =	ssyncset.done $0x0  }
0xec: {  	s19 =	sadd.s32 $0x100, s6;
	[sflag:s22] =	ssyncadd.s32 $0xFFFFF000  }
0xed: {  	[tilespmem:s30], [sflag:$0x1] =	stream.indirect.gather [spmem:s3], $0x20, s19, s28, $0xb8;
	[tilespmem:$0x1DD80] =	vst v63  }
0xee: {  	_ =	swait.ge [sflag:s0], $0x1000  }
0xef: {  	[sflag:s0] =	ssyncset.done $0x0  }
0xf0: {  	s15 =	sadd.s32 $0x2880, s6;
	[sflag:s0] =	ssyncadd.s32 $0xFFFFF000  }
0xf1: {  	[spmem:s4] =	stream.indirect.scatter.add.f32 [tilespmem:s31], [sflag:$0x3], $0x20, s15, s28, $0xb8;
	[tilespmem:$0x1DD80] =	vst v63  }
0xf2: {  	_ =	swait.ge [sflag:s22], $0x1000  }
0xf3: {  	[sflag:s22] =	ssyncset.done $0x0  }
0xf4: {  	[sflag:s22] =	ssyncadd.s32 $0xFFFFF000  }
0xf5: {  	[tilespmem:s31], [sflag:$0x2] =	stream.indirect.gather [spmem:s3], $0x20, s23, s28, $0xb8;
	[tilespmem:$0x1DD80] =	vst v63  }
0xf6: {  	_ =	swait.ge [sflag:s2], $0x1000  }
0xf7: {  	[sflag:s2] =	ssyncset.done $0x0  }
0xf8: {  	[sflag:s2] =	ssyncadd.s32 $0xFFFFF000  }
0xf9: {  	[spmem:s4] =	stream.indirect.scatter.add.f32 [tilespmem:s30], [sflag:$0x3], $0x20, s24, s28, $0xb8;
	[tilespmem:$0x1DD80] =	vst v63  }
0xfa: {  	_ =	swait.ge [sflag:s22], $0x1000  }
0xfb: {  	[sflag:s22] =	ssyncset.done $0x0  }
0xfc: {  	[sflag:s22] =	ssyncadd.s32 $0xFFFFF000  }
0xfd: {  	_ =	swait.ge [sflag:s0], $0x1000  }
0xfe: {  	[sflag:s0] =	ssyncset.done $0x0  }
0xff: {  	[sflag:s0] =	ssyncadd.s32 $0xFFFFF000  }
0x100: {  	[spmem:s4] =	stream.indirect.scatter.add.f32 [tilespmem:s31], [sflag:$0x3], $0x20, s26, s28, $0xb8;
	[tilespmem:$0x1DD80] =	vst v63  }
0x101: {  	_ =	swait.ge [sflag:s22], $0x1000  }
0x102: {  	[sflag:s22] =	ssyncset.done $0x0  }
0x103: {  	[sflag:s22] =	ssyncadd.s32 $0xFFFFF000  }
0x104: {  	[bflag:$0x0] =	sbarrier.arrive $0xFFFF  }
0x105: {  	s17 =	rddreg [dreg:$0xe]  }
0x106: {  	[hbm:s17@s7], [sflag:s10] =	dma.strided [spmem:s12@s9], $0xA00, s2, $0x4   }
0x107: {  	_ =	swait.ge [sflag:s22], $0xA00  }
0x108: {  	s6 =	simm.s32 $0x9820;
	[sflag:s22] =	ssyncset.done $0x0  }
0x109: {  	s14 =	simm.s32 $0x80;
	s19 =	sadd.s32 $0x0, s16;
	[sflag:s22] =	ssyncadd.s32 $0xFFFFF600  }
0x10a: {  	[spmem:s19] =	stream.linear.scatter [tilespmem:s6], [sflag:$0x3], $0x20, $0x38;
	[tilespmem:$0x1DD80] =	vst v63  }
.LBB2_12:
0x10b: {  	p1 =	sne.s32 s14, $0x13F80  }
.Ltmp5:
0x10c: {  	_ = 	snop;
	(pc) =	sbr.rel @p1 .LBB2_12-.Ltmp5, $4  }
0x10d: {  	_ = 	snop  }
0x10e: {  	s15 =	sshra.s32 s14, $0x2;
	s14 =	sadd.s32 $0x80, s14  }
0x10f: {  	s6 =	sadd.s32 $0x40, s6;
	s15 =	sadd.s32 s15, s16  }
0x110: {  	[spmem:s15] =	stream.linear.scatter [tilespmem:s6], [sflag:$0x3], $0x20, $0x38;
	[tilespmem:$0x1DD80] =	vst v63  }
0x111: {  	_ =	swait.ge [sflag:s22], $0x5000  }
0x112: {  	[sflag:s22] =	ssyncset.done $0x0  }
0x113: {  	[sflag:s22] =	ssyncadd.s32 $0xFFFFB000  }
0x114: {  	[spmem:s12], [sflag:s10] =	dma.local [hbm:s18], $0xA00  }
0x115: {  	_ =	swait.ge [sflag:s22], $0xA00  }
0x116: {  	[sflag:s22] =	ssyncset.done $0x0  }
0x117: {  	[sflag:s22] =	ssyncadd.s32 $0xFFFFF600  }
0x118: {  	s6 =	simm.s32 $0x0;
	[bflag:$0x0] =	sbarrier.arrive $0xFFFF  }
0x119: {  	[tilespmem:s30], [sflag:$0x1] =	stream.indirect.gather [spmem:s3], $0x20, s6, s28, $0xb8;
	[tilespmem:$0x1DD80] =	vst v63  }
0x11a: {  	s14 =	simm.s32 $0x80  }
0x11b: {  	[tilespmem:s31], [sflag:$0x2] =	stream.indirect.gather [spmem:s3], $0x20, s14, s28, $0xb8;
	[tilespmem:$0x1DD80] =	vst v63  }
0x11c: {  	_ =	swait.ge [sflag:s2], $0x1000  }
0x11d: {  	[sflag:s2] =	ssyncset.done $0x0  }
0x11e: {  	s15 =	simm.s32 $0x2800;
	[sflag:s2] =	ssyncadd.s32 $0xFFFFF000  }
0x11f: {  	[spmem:s4] =	stream.indirect.scatter.add.f32 [tilespmem:s30], [sflag:$0x3], $0x20, s15, s28, $0xb8;
	[tilespmem:$0x1DD80] =	vst v63  }
0x120: {  	_ =	swait.ge [sflag:s22], $0x1000  }
0x121: {  	[sflag:s22] =	ssyncset.done $0x0  }
0x122: {  	s17 =	simm.s32 $0x100;
	[sflag:s22] =	ssyncadd.s32 $0xFFFFF000  }
0x123: {  	[tilespmem:s30], [sflag:$0x1] =	stream.indirect.gather [spmem:s3], $0x20, s17, s28, $0xb8;
	[tilespmem:$0x1DD80] =	vst v63  }
0x124: {  	_ =	swait.ge [sflag:s0], $0x1000  }
0x125: {  	[sflag:s0] =	ssyncset.done $0x0  }
0x126: {  	s19 =	simm.s32 $0x2880;
	[sflag:s0] =	ssyncadd.s32 $0xFFFFF000  }
0x127: {  	[spmem:s4] =	stream.indirect.scatter.add.f32 [tilespmem:s31], [sflag:$0x3], $0x20, s19, s28, $0xb8;
	[tilespmem:$0x1DD80] =	vst v63  }
0x128: {  	_ =	swait.ge [sflag:s22], $0x1000  }
0x129: {  	s6 =	simm.s32 $0x100;
	s14 =	simm.s32 $0x800;
	[sflag:s22] =	ssyncset.done $0x0  }
.LBB2_14:
0x12a: {  	s15 =	sadd.s32 $0x80, s6  }
0x12b: {  	[sflag:s22] =	ssyncadd.s32 $0xFFFFF000;
	s17 =	smov.u32 s14;
	s19 =	sadd.s32 $0x400, s14  }
0x12c: {  	[tilespmem:s31], [sflag:$0x2] =	stream.indirect.gather [spmem:s3], $0x20, s15, s28, $0xb8;
	[tilespmem:$0x1DD80] =	vst v63  }
0x12d: {  	p1 =	sne.s32 s14, $0x9800;
	_ =	swait.ge [sflag:s2], $0x1000  }
0x12e: {  	[sflag:s2] =	ssyncset.done $0x0  }
0x12f: {  	s14 =	sadd.s32 $0x2800, s6;
	[sflag:s2] =	ssyncadd.s32 $0xFFFFF000  }
0x130: {  	[spmem:s4] =	stream.indirect.scatter.add.f32 [tilespmem:s30], [sflag:$0x3], $0x20, s14, s28, $0xb8;
	[tilespmem:$0x1DD80] =	vst v63  }
0x131: {  	_ =	swait.ge [sflag:s22], $0x1000  }
0x132: {  	[sflag:s22] =	ssyncset.done $0x0  }
0x133: {  	s14 =	sadd.s32 $0x100, s6;
	[sflag:s22] =	ssyncadd.s32 $0xFFFFF000  }
0x134: {  	[tilespmem:s30], [sflag:$0x1] =	stream.indirect.gather [spmem:s3], $0x20, s14, s28, $0xb8;
	[tilespmem:$0x1DD80] =	vst v63  }
0x135: {  	_ =	swait.ge [sflag:s0], $0x1000  }
.Ltmp6:
0x136: {  	[sflag:s0] =	ssyncset.done $0x0;
	(pc) =	sbr.rel @p1 .LBB2_14-.Ltmp6, $4  }
0x137: {  	s6 =	sadd.s32 $0x2880, s6;
	[sflag:s0] =	ssyncadd.s32 $0xFFFFF000  }
0x138: {  	[spmem:s4] =	stream.indirect.scatter.add.f32 [tilespmem:s31], [sflag:$0x3], $0x20, s6, s28, $0xb8;
	[tilespmem:$0x1DD80] =	vst v63  }
0x139: {  	_ =	swait.ge [sflag:s22], $0x1000  }
0x13a: {  	s14 =	smov.u32 s19;
	s6 =	sshra.s32 s17, $0x2;
	[sflag:s22] =	ssyncset.done $0x0  }
0x13b: {  	s14 =	sadd.s32 $0x80, s6;
	[sflag:s22] =	ssyncadd.s32 $0xFFFFF000  }
0x13c: {  	[tilespmem:s31], [sflag:$0x2] =	stream.indirect.gather [spmem:s3], $0x20, s14, s28, $0xb8;
	[tilespmem:$0x1DD80] =	vst v63  }
0x13d: {  	_ =	swait.ge [sflag:s2], $0x1000  }
0x13e: {  	[sflag:s2] =	ssyncset.done $0x0  }
0x13f: {  	s15 =	sadd.s32 $0x2800, s6;
	[sflag:s2] =	ssyncadd.s32 $0xFFFFF000  }
0x140: {  	[spmem:s4] =	stream.indirect.scatter.add.f32 [tilespmem:s30], [sflag:$0x3], $0x20, s15, s28, $0xb8;
	[tilespmem:$0x1DD80] =	vst v63  }
0x141: {  	_ =	swait.ge [sflag:s22], $0x1000  }
0x142: {  	[sflag:s22] =	ssyncset.done $0x0  }
0x143: {  	s17 =	sadd.s32 $0x100, s6;
	[sflag:s22] =	ssyncadd.s32 $0xFFFFF000  }
0x144: {  	[tilespmem:s30], [sflag:$0x1] =	stream.indirect.gather [spmem:s3], $0x20, s17, s28, $0xb8;
	[tilespmem:$0x1DD80] =	vst v63  }
0x145: {  	_ =	swait.ge [sflag:s0], $0x1000  }
0x146: {  	[sflag:s0] =	ssyncset.done $0x0  }
0x147: {  	s19 =	sadd.s32 $0x2880, s6;
	[sflag:s0] =	ssyncadd.s32 $0xFFFFF000  }
0x148: {  	[spmem:s4] =	stream.indirect.scatter.add.f32 [tilespmem:s31], [sflag:$0x3], $0x20, s19, s28, $0xb8;
	[tilespmem:$0x1DD80] =	vst v63  }
0x149: {  	_ =	swait.ge [sflag:s22], $0x1000  }
0x14a: {  	[sflag:s22] =	ssyncset.done $0x0  }
0x14b: {  	[sflag:s22] =	ssyncadd.s32 $0xFFFFF000  }
0x14c: {  	[tilespmem:s31], [sflag:$0x2] =	stream.indirect.gather [spmem:s3], $0x20, s23, s28, $0xb8;
	[tilespmem:$0x1DD80] =	vst v63  }
0x14d: {  	_ =	swait.ge [sflag:s2], $0x1000  }
0x14e: {  	[sflag:s2] =	ssyncset.done $0x0  }
0x14f: {  	[sflag:s2] =	ssyncadd.s32 $0xFFFFF000  }
0x150: {  	[spmem:s4] =	stream.indirect.scatter.add.f32 [tilespmem:s30], [sflag:$0x3], $0x20, s24, s28, $0xb8;
	[tilespmem:$0x1DD80] =	vst v63  }
0x151: {  	_ =	swait.ge [sflag:s22], $0x1000  }
0x152: {  	[sflag:s22] =	ssyncset.done $0x0  }
0x153: {  	[sflag:s22] =	ssyncadd.s32 $0xFFFFF000  }
0x154: {  	_ =	swait.ge [sflag:s0], $0x1000  }
0x155: {  	[sflag:s0] =	ssyncset.done $0x0  }
0x156: {  	[sflag:s0] =	ssyncadd.s32 $0xFFFFF000  }
0x157: {  	[spmem:s4] =	stream.indirect.scatter.add.f32 [tilespmem:s31], [sflag:$0x3], $0x20, s26, s28, $0xb8;
	[tilespmem:$0x1DD80] =	vst v63  }
0x158: {  	_ =	swait.ge [sflag:s22], $0x1000  }
0x159: {  	s11 =	sadd.s32 $0x1, s11;
	[sflag:s22] =	ssyncset.done $0x0  }
0x15a: {  	p1 =	sne.s32 s11, s21;
	[sflag:s22] =	ssyncadd.s32 $0xFFFFF000  }
.Ltmp7:
0x15b: {  	[bflag:$0x0] =	sbarrier.arrive $0xFFFF;
	(pc) =	sbr.rel @p1 .LBB2_1-.Ltmp7, $4  }
0x15c: {  	[hbm:s20@s7], [sflag:s10] =	dma.strided [spmem:s12@s9], $0xA00, s2, $0x4   }
0x15d: {  	_ =	swait.ge [sflag:s22], $0xA00  }
0x15e: {  	[sflag:s22] =	ssyncset.done $0x0  }
0x15f: {  	[sflag:s22] =	ssyncadd.s32 $0xFFFFF600  }
0x160: {  	_ =	sfence.sel $0x180000  }
0x161: {  	[bflag:$0x0] =	sbarrier.arrive $0xFFFF  }
0x162: {  	_ =	strace $0x90000047  }
0x163: {  	s0 =	stileid.u32;
	[bflag:$0x2] =	sbarrier.arrive $0xFFFF  }
0x164: {  	p0 =	sne.s32 s0, $0x0;
	s0 =	rddreg [dreg:$0x5]  }
0x165: {  	s0 =	sadd.s32 @!p0 $0x100000, s0  }
0x166: {  	[sflag:s0] =	ssyncadd.tile.s32 @!p0 $0x1;
	_ =	shalt  }
.Lfunc_end2:
_tile_overlayer_lowered:
.L_overlay_start_2:
0x167: {  	(tag) =	ssettag $0x2  }
0x168: {  	s0 =	rddreg [dreg:$0x0];
	s2 =	stileid.u32  }
0x169: {  	s1 =	rddreg [dreg:$0x1];
	p0 =	sne.s32 s2, $0x0  }
0x16a: {  	s3 =	rddreg [dreg:$0x2];
	[bflag:$0x3] =	sbarrier.arrive $0xFFFF;
	s2 =	simm.s32 @!p0 $0x1C03  }
0x16b: {  	[timem:s3], [sflag:s2] =	dma.local @!p0 [hbm:s0], s1  }
0x16c: {  	s0 =	simm.s32 @!p0 $0x3  }
0x16d: {  	_ =	swait.ge @!p0 [sflag:s0], s1  }
0x16e: {  	s1 =	ssub.s32 @!p0 $0x0, s1;
	[sflag:s0] =	ssyncset.done @!p0 $0x0  }
0x16f: {  	[sflag:s0] =	ssyncadd.s32 @!p0 s1  }
0x170: {  	[bflag:$0x3] =	sbarrier.arrive $0xFFFF  }
0x171: {  	_ =	shalt  }

</sc_bundles>
